<compile_context>
chip_gen: v7x
topology: tpu7x:2x2x1
jax: 0.10.2.dev20260603
libtpu: 0.0.44.dev20260713+nightly
codegen_flags: <defaults>
</compile_context>

<pallas_src>
import functools

import jax
import jax.numpy as jnp
from jax import lax
from jax.experimental import pallas as pl
from jax.experimental.pallas import tpu as pltpu
from jax.experimental.pallas import tpu_sc as plsc

N = 100000
D = 256
L = 16
R = 800
NCHUNK = N // R
NW = 32
KMAX = -(-NCHUNK // NW)

_mesh = plsc.VectorSubcoreMesh(core_axis_name="c", subcore_axis_name="s")

_scratch = (
    [pltpu.VMEM((L,), jnp.float32)]
    + [pltpu.VMEM((R,), jnp.int32) for _ in range(KMAX)]
    + [pltpu.VMEM((R,), jnp.float32) for _ in range(KMAX)]
    + [pltpu.SemaphoreType.DMA for _ in range(2 * KMAX)]
)


@functools.partial(
    pl.kernel,
    out_type=jax.ShapeDtypeStruct((N,), jnp.float32),
    mesh=_mesh,
    compiler_params=pltpu.CompilerParams(needs_layout_passes=False),
    scratch_types=_scratch,
)
def _sc_norm_factor(types_hbm, nc_hbm, outnf_hbm, nc_v, *scr):
    tv = scr[0:KMAX]
    nfv = scr[KMAX:2 * KMAX]
    in_sem = scr[2 * KMAX:3 * KMAX]
    out_sem = scr[3 * KMAX:4 * KMAX]

    wid = lax.axis_index("c") * 16 + lax.axis_index("s")
    pltpu.sync_copy(nc_hbm, nc_v)

    for k in range(KMAX):
        c = wid + k * NW

        @pl.when(c < NCHUNK)
        def _(k=k, c=c):
            pltpu.async_copy(types_hbm.at[pl.ds(c * R, R)], tv[k], in_sem[k])

    for k in range(KMAX):
        c = wid + k * NW

        @pl.when(c < NCHUNK)
        def _(k=k, c=c):
            pltpu.make_async_copy(types_hbm.at[pl.ds(c * R, R)], tv[k],
                                  in_sem[k]).wait()
            for j in range(R // L):
                t16 = tv[k][pl.ds(j * L, L)]
                nfv[k][pl.ds(j * L, L)] = plsc.load_gather(nc_v, [t16])
            pltpu.async_copy(nfv[k], outnf_hbm.at[pl.ds(c * R, R)],
                             out_sem[k])

    for k in range(KMAX):
        c = wid + k * NW

        @pl.when(c < NCHUNK)
        def _(k=k, c=c):
            pltpu.make_async_copy(nfv[k], outnf_hbm.at[pl.ds(c * R, R)],
                                  out_sem[k]).wait()


BM = 2000


def _tc_scale_body(nc_sref, t_ref, f_ref, o_ref):
    t = t_ref[...]
    w0 = nc_sref[0, 0]
    w1 = nc_sref[1, 0]
    w2 = nc_sref[2, 0]
    w3 = nc_sref[3, 0]
    nf = jnp.where(t == 0, w0, jnp.where(t == 1, w1, jnp.where(t == 2, w2, w3)))
    o_ref[...] = f_ref[...] * nf


_tc_scale = pl.pallas_call(
    _tc_scale_body,
    grid=(N // BM,),
    in_specs=[
        pl.BlockSpec(memory_space=pltpu.SMEM),
        pl.BlockSpec((BM, 1), lambda i: (i, 0)),
        pl.BlockSpec((BM, D), lambda i: (i, 0)),
    ],
    out_specs=pl.BlockSpec((BM, D), lambda i: (i, 0)),
    out_shape=jax.ShapeDtypeStruct((N, D), jnp.float32),
    compiler_params=pltpu.CompilerParams(
        dimension_semantics=("arbitrary",)),
)


def kernel(node_features, atom_types, norm_const):
    types = atom_types.astype(jnp.int32)
    nc_flat = jnp.pad(norm_const.reshape(-1).astype(jnp.float32),
                      (0, L - norm_const.shape[0]))
    out_nf = _sc_norm_factor(types, nc_flat)
    out_feat = _tc_scale(norm_const, types.reshape(N, 1), node_features)
    return out_feat, out_nf.reshape(N, 1)

# --- scband reference (transcript-rebuilt; emitter-appended) ---
"""Pipeline reference for scband-avg-num-neighbors-norm-10136122818790 (READ-ONLY COPY).

The authoritative reference and input builder live on the scoring server;
editing this copy changes nothing except your own understanding.
"""

import jax, jax.numpy as jnp
import numpy as np
from math import sqrt

N_NODES = 100000
D_FEAT = 256
AVG_NUM_NEIGHBORS = [12.0, 24.0, 20.0, 18.0]  # order: type_names [H, C, N, O]


def setup_inputs(seed: int = 0) -> dict:
    key = jax.random.key(seed)
    k1, k2 = jax.random.split(key)
    node_features = jax.random.normal(k1, (N_NODES, D_FEAT), dtype=jnp.float32)
    atom_types = jax.random.randint(k2, (N_NODES,), 0, len(AVG_NUM_NEIGHBORS), dtype=jnp.int64 if jax.config.jax_enable_x64 else jnp.int32)
    # buffer: norm_const[t] = 1/sqrt(avg_num_neighbors[t]), shape [n_types, 1]
    norm_const = jnp.asarray([1.0 / sqrt(v) for v in AVG_NUM_NEIGHBORS], dtype=jnp.float32).reshape(-1, 1)
    return {"node_features": node_features, "atom_types": atom_types, "norm_const": norm_const}


def reference(node_features, atom_types, norm_const):
    # norm_shortcut is False (4 types), so we take the embedding path:
    # norm_factor = F.embedding(atom_types, norm_const) -> gather rows
    norm_size = node_features.shape[0]
    norm_factor = jnp.take(norm_const, atom_types[:norm_size], axis=0)  # [N, 1]
    out_features = norm_factor * node_features  # [N, d]
    # Return the updated fields (out features and cached norm factor)
    return out_features, norm_factor

if __name__ == "__main__":
    import jax
    _d = setup_inputs()
    print(jax.jit(kernel)(*tuple(_d.values())))

</pallas_src>

<mosaic_0001>
#map = affine_map<(d0, d1) -> (0)>
module attributes {stable_mosaic.version = 14 : i64} {
  func.func @_sc_norm_factor(%arg0: i32, %arg1: i32, %arg2: memref<100000xi32, #tpu.memory_space<hbm>>, %arg3: memref<16xf32, #tpu.memory_space<hbm>>, %arg4: memref<100000xf32, #tpu.memory_space<hbm>>, %arg5: memref<16xf32, #tpu.memory_space<vmem>>, %arg6: memref<800xi32, #tpu.memory_space<vmem>>, %arg7: memref<800xi32, #tpu.memory_space<vmem>>, %arg8: memref<800xi32, #tpu.memory_space<vmem>>, %arg9: memref<800xi32, #tpu.memory_space<vmem>>, %arg10: memref<800xf32, #tpu.memory_space<vmem>>, %arg11: memref<800xf32, #tpu.memory_space<vmem>>, %arg12: memref<800xf32, #tpu.memory_space<vmem>>, %arg13: memref<800xf32, #tpu.memory_space<vmem>>, %arg14: memref<!tpu.dma_semaphore, #tpu.memory_space<semaphore_mem>>, %arg15: memref<!tpu.dma_semaphore, #tpu.memory_space<semaphore_mem>>, %arg16: memref<!tpu.dma_semaphore, #tpu.memory_space<semaphore_mem>>, %arg17: memref<!tpu.dma_semaphore, #tpu.memory_space<semaphore_mem>>, %arg18: memref<!tpu.dma_semaphore, #tpu.memory_space<semaphore_mem>>, %arg19: memref<!tpu.dma_semaphore, #tpu.memory_space<semaphore_mem>>, %arg20: memref<!tpu.dma_semaphore, #tpu.memory_space<semaphore_mem>>, %arg21: memref<!tpu.dma_semaphore, #tpu.memory_space<semaphore_mem>>) attributes {dimension_semantics = [#tpu.dimension_semantics<core_parallel>, #tpu.dimension_semantics<subcore_parallel>], iteration_bounds = array<i64: 2, 16>, scalar_prefetch = 0 : i64, scratch_operands = 17 : i64, tpu.core_type = #tpu.core_type<sc_vector_subcore>, window_params = [{transform_indices = #map}, {transform_indices = #map}, {transform_indices = #map}]} {
    %mul3A = arith.constant 16 : i32
    %mul3A_0 = arith.muli %arg0, %mul3A : i32
    %add3A = arith.addi %mul3A_0, %arg1 : i32
    "tpu.region"() ({
      %run_scoped3A = tpu.sem_alloc : memref<!tpu.dma_semaphore, #tpu.memory_space<semaphore_mem>>
      tpu.enqueue_dma source(%arg3 : memref<16xf32, #tpu.memory_space<hbm>>) target(%arg5 : memref<16xf32, #tpu.memory_space<vmem>>) target_semaphore(%run_scoped3A : memref<!tpu.dma_semaphore, #tpu.memory_space<semaphore_mem>>)
      tpu.wait_dma2 semaphore(%run_scoped3A : memref<!tpu.dma_semaphore, #tpu.memory_space<semaphore_mem>>) src(%arg3 : memref<16xf32, #tpu.memory_space<hbm>>) dst(%arg5 : memref<16xf32, #tpu.memory_space<vmem>>)
      tpu.yield
    }) : () -> ()
    %add3A_1 = arith.constant 0 : i32
    %add3A_2 = arith.addi %add3A, %add3A_1 : i32
    %lt3A = arith.constant 125 : i32
    %lt3A_3 = arith.cmpi slt, %add3A_2, %lt3A : i32
    %convert_element_type3A = arith.extui %lt3A_3 : i1 to i32
    %cond3A = arith.constant 0 : i32
    %cond3A_4 = arith.cmpi ne, %convert_element_type3A, %cond3A : i32
    scf.if %cond3A_4 {
      %mul3A_82 = arith.constant 800 : i32
      %mul3A_83 = arith.muli %add3A_2, %mul3A_82 : i32
      %dma_start3A = tpu.memref_slice %arg2[%mul3A_83] : memref<100000xi32, #tpu.memory_space<hbm>> -> memref<800xi32, #tpu.memory_space<hbm>>
      %dma_start3A_84 = tpu.memref_slice %arg2[%mul3A_83] : memref<100000xi32, #tpu.memory_space<hbm>> -> memref<800xi32, #tpu.memory_space<hbm>>
      tpu.enqueue_dma source(%dma_start3A_84 : memref<800xi32, #tpu.memory_space<hbm>>) target(%arg6 : memref<800xi32, #tpu.memory_space<vmem>>) target_semaphore(%arg14 : memref<!tpu.dma_semaphore, #tpu.memory_space<semaphore_mem>>)
    } else {
    }
    %add3A_5 = arith.constant 32 : i32
    %add3A_6 = arith.addi %add3A, %add3A_5 : i32
    %lt3A_7 = arith.constant 125 : i32
    %lt3A_8 = arith.cmpi slt, %add3A_6, %lt3A_7 : i32
    %convert_element_type3A_9 = arith.extui %lt3A_8 : i1 to i32
    %cond3A_10 = arith.constant 0 : i32
    %cond3A_11 = arith.cmpi ne, %convert_element_type3A_9, %cond3A_10 : i32
    scf.if %cond3A_11 {
      %mul3A_82 = arith.constant 800 : i32
      %mul3A_83 = arith.muli %add3A_6, %mul3A_82 : i32
      %dma_start3A = tpu.memref_slice %arg2[%mul3A_83] : memref<100000xi32, #tpu.memory_space<hbm>> -> memref<800xi32, #tpu.memory_space<hbm>>
      %dma_start3A_84 = tpu.memref_slice %arg2[%mul3A_83] : memref<100000xi32, #tpu.memory_space<hbm>> -> memref<800xi32, #tpu.memory_space<hbm>>
      tpu.enqueue_dma source(%dma_start3A_84 : memref<800xi32, #tpu.memory_space<hbm>>) target(%arg7 : memref<800xi32, #tpu.memory_space<vmem>>) target_semaphore(%arg15 : memref<!tpu.dma_semaphore, #tpu.memory_space<semaphore_mem>>)
    } else {
    }
    %add3A_12 = arith.constant 64 : i32
    %add3A_13 = arith.addi %add3A, %add3A_12 : i32
    %lt3A_14 = arith.constant 125 : i32
    %lt3A_15 = arith.cmpi slt, %add3A_13, %lt3A_14 : i32
    %convert_element_type3A_16 = arith.extui %lt3A_15 : i1 to i32
    %cond3A_17 = arith.constant 0 : i32
    %cond3A_18 = arith.cmpi ne, %convert_element_type3A_16, %cond3A_17 : i32
    scf.if %cond3A_18 {
      %mul3A_82 = arith.constant 800 : i32
      %mul3A_83 = arith.muli %add3A_13, %mul3A_82 : i32
      %dma_start3A = tpu.memref_slice %arg2[%mul3A_83] : memref<100000xi32, #tpu.memory_space<hbm>> -> memref<800xi32, #tpu.memory_space<hbm>>
      %dma_start3A_84 = tpu.memref_slice %arg2[%mul3A_83] : memref<100000xi32, #tpu.memory_space<hbm>> -> memref<800xi32, #tpu.memory_space<hbm>>
      tpu.enqueue_dma source(%dma_start3A_84 : memref<800xi32, #tpu.memory_space<hbm>>) target(%arg8 : memref<800xi32, #tpu.memory_space<vmem>>) target_semaphore(%arg16 : memref<!tpu.dma_semaphore, #tpu.memory_space<semaphore_mem>>)
    } else {
    }
    %add3A_19 = arith.constant 96 : i32
    %add3A_20 = arith.addi %add3A, %add3A_19 : i32
    %lt3A_21 = arith.constant 125 : i32
    %lt3A_22 = arith.cmpi slt, %add3A_20, %lt3A_21 : i32
    %convert_element_type3A_23 = arith.extui %lt3A_22 : i1 to i32
    %cond3A_24 = arith.constant 0 : i32
    %cond3A_25 = arith.cmpi ne, %convert_element_type3A_23, %cond3A_24 : i32
    scf.if %cond3A_25 {
      %mul3A_82 = arith.constant 800 : i32
      %mul3A_83 = arith.muli %add3A_20, %mul3A_82 : i32
      %dma_start3A = tpu.memref_slice %arg2[%mul3A_83] : memref<100000xi32, #tpu.memory_space<hbm>> -> memref<800xi32, #tpu.memory_space<hbm>>
      %dma_start3A_84 = tpu.memref_slice %arg2[%mul3A_83] : memref<100000xi32, #tpu.memory_space<hbm>> -> memref<800xi32, #tpu.memory_space<hbm>>
      tpu.enqueue_dma source(%dma_start3A_84 : memref<800xi32, #tpu.memory_space<hbm>>) target(%arg9 : memref<800xi32, #tpu.memory_space<vmem>>) target_semaphore(%arg17 : memref<!tpu.dma_semaphore, #tpu.memory_space<semaphore_mem>>)
    } else {
    }
    %add3A_26 = arith.constant 0 : i32
    %add3A_27 = arith.addi %add3A, %add3A_26 : i32
    %lt3A_28 = arith.constant 125 : i32
    %lt3A_29 = arith.cmpi slt, %add3A_27, %lt3A_28 : i32
    %convert_element_type3A_30 = arith.extui %lt3A_29 : i1 to i32
    %cond3A_31 = arith.constant 0 : i32
    %cond3A_32 = arith.cmpi ne, %convert_element_type3A_30, %cond3A_31 : i32
    scf.if %cond3A_32 {
      %mul3A_82 = arith.constant 800 : i32
      %mul3A_83 = arith.muli %add3A_27, %mul3A_82 : i32
      %dma_wait3A = tpu.memref_slice %arg2[%mul3A_83] : memref<100000xi32, #tpu.memory_space<hbm>> -> memref<800xi32, #tpu.memory_space<hbm>>
      %dma_wait3A_84 = tpu.memref_slice %arg2[%mul3A_83] : memref<100000xi32, #tpu.memory_space<hbm>> -> memref<800xi32, #tpu.memory_space<hbm>>
      tpu.wait_dma2 semaphore(%arg14 : memref<!tpu.dma_semaphore, #tpu.memory_space<semaphore_mem>>) src(%dma_wait3A_84 : memref<800xi32, #tpu.memory_space<hbm>>) dst(%arg6 : memref<800xi32, #tpu.memory_space<vmem>>)
      %get3A = arith.constant 0 : index
      %get3A_85 = tpu.vector_load %arg6[%get3A] {strides = array<i32>} : memref<800xi32, #tpu.memory_space<vmem>>, vector<16xi32>,
      %gather3A = tpu.vector_load_idx %arg5[%get3A_85] : memref<16xf32, #tpu.memory_space<vmem>>[vector<16xi32>], vector<16xf32>,
      %swap3A = arith.constant 0 : index
      %swap3A_86 = tpu.vector_load %arg10[%swap3A] {strides = array<i32>} : memref<800xf32, #tpu.memory_space<vmem>>, vector<16xf32>,
      tpu.vector_store %arg10[%swap3A], %gather3A {strides = array<i32>} : memref<800xf32, #tpu.memory_space<vmem>>, vector<16xf32>,
      %get3A_87 = arith.constant 16 : index
      %get3A_88 = tpu.vector_load %arg6[%get3A_87] {strides = array<i32>} : memref<800xi32, #tpu.memory_space<vmem>>, vector<16xi32>,
      %gather3A_89 = tpu.vector_load_idx %arg5[%get3A_88] : memref<16xf32, #tpu.memory_space<vmem>>[vector<16xi32>], vector<16xf32>,
      %swap3A_90 = arith.constant 16 : index
      %swap3A_91 = tpu.vector_load %arg10[%swap3A_90] {strides = array<i32>} : memref<800xf32, #tpu.memory_space<vmem>>, vector<16xf32>,
      tpu.vector_store %arg10[%swap3A_90], %gather3A_89 {strides = array<i32>} : memref<800xf32, #tpu.memory_space<vmem>>, vector<16xf32>,
      %get3A_92 = arith.constant 32 : index
      %get3A_93 = tpu.vector_load %arg6[%get3A_92] {strides = array<i32>} : memref<800xi32, #tpu.memory_space<vmem>>, vector<16xi32>,
      %gather3A_94 = tpu.vector_load_idx %arg5[%get3A_93] : memref<16xf32, #tpu.memory_space<vmem>>[vector<16xi32>], vector<16xf32>,
      %swap3A_95 = arith.constant 32 : index
      %swap3A_96 = tpu.vector_load %arg10[%swap3A_95] {strides = array<i32>} : memref<800xf32, #tpu.memory_space<vmem>>, vector<16xf32>,
      tpu.vector_store %arg10[%swap3A_95], %gather3A_94 {strides = array<i32>} : memref<800xf32, #tpu.memory_space<vmem>>, vector<16xf32>,
      %get3A_97 = arith.constant 48 : index
      %get3A_98 = tpu.vector_load %arg6[%get3A_97] {strides = array<i32>} : memref<800xi32, #tpu.memory_space<vmem>>, vector<16xi32>,
      %gather3A_99 = tpu.vector_load_idx %arg5[%get3A_98] : memref<16xf32, #tpu.memory_space<vmem>>[vector<16xi32>], vector<16xf32>,
      %swap3A_100 = arith.constant 48 : index
      %swap3A_101 = tpu.vector_load %arg10[%swap3A_100] {strides = array<i32>} : memref<800xf32, #tpu.memory_space<vmem>>, vector<16xf32>,
      tpu.vector_store %arg10[%swap3A_100], %gather3A_99 {strides = array<i32>} : memref<800xf32, #tpu.memory_space<vmem>>, vector<16xf32>,
      %get3A_102 = arith.constant 64 : index
      %get3A_103 = tpu.vector_load %arg6[%get3A_102] {strides = array<i32>} : memref<800xi32, #tpu.memory_space<vmem>>, vector<16xi32>,
      %gather3A_104 = tpu.vector_load_idx %arg5[%get3A_103] : memref<16xf32, #tpu.memory_space<vmem>>[vector<16xi32>], vector<16xf32>,
      %swap3A_105 = arith.constant 64 : index
      %swap3A_106 = tpu.vector_load %arg10[%swap3A_105] {strides = array<i32>} : memref<800xf32, #tpu.memory_space<vmem>>, vector<16xf32>,
      tpu.vector_store %arg10[%swap3A_105], %gather3A_104 {strides = array<i32>} : memref<800xf32, #tpu.memory_space<vmem>>, vector<16xf32>,
      %get3A_107 = arith.constant 80 : index
      %get3A_108 = tpu.vector_load %arg6[%get3A_107] {strides = array<i32>} : memref<800xi32, #tpu.memory_space<vmem>>, vector<16xi32>,
      %gather3A_109 = tpu.vector_load_idx %arg5[%get3A_108] : memref<16xf32, #tpu.memory_space<vmem>>[vector<16xi32>], vector<16xf32>,
      %swap3A_110 = arith.constant 80 : index
      %swap3A_111 = tpu.vector_load %arg10[%swap3A_110] {strides = array<i32>} : memref<800xf32, #tpu.memory_space<vmem>>, vector<16xf32>,
      tpu.vector_store %arg10[%swap3A_110], %gather3A_109 {strides = array<i32>} : memref<800xf32, #tpu.memory_space<vmem>>, vector<16xf32>,
      %get3A_112 = arith.constant 96 : index
      %get3A_113 = tpu.vector_load %arg6[%get3A_112] {strides = array<i32>} : memref<800xi32, #tpu.memory_space<vmem>>, vector<16xi32>,
      %gather3A_114 = tpu.vector_load_idx %arg5[%get3A_113] : memref<16xf32, #tpu.memory_space<vmem>>[vector<16xi32>], vector<16xf32>,
      %swap3A_115 = arith.constant 96 : index
      %swap3A_116 = tpu.vector_load %arg10[%swap3A_115] {strides = array<i32>} : memref<800xf32, #tpu.memory_space<vmem>>, vector<16xf32>,
      tpu.vector_store %arg10[%swap3A_115], %gather3A_114 {strides = array<i32>} : memref<800xf32, #tpu.memory_space<vmem>>, vector<16xf32>,
      %get3A_117 = arith.constant 112 : index
      %get3A_118 = tpu.vector_load %arg6[%get3A_117] {strides = array<i32>} : memref<800xi32, #tpu.memory_space<vmem>>, vector<16xi32>,
      %gather3A_119 = tpu.vector_load_idx %arg5[%get3A_118] : memref<16xf32, #tpu.memory_space<vmem>>[vector<16xi32>], vector<16xf32>,
      %swap3A_120 = arith.constant 112 : index
      %swap3A_121 = tpu.vector_load %arg10[%swap3A_120] {strides = array<i32>} : memref<800xf32, #tpu.memory_space<vmem>>, vector<16xf32>,
      tpu.vector_store %arg10[%swap3A_120], %gather3A_119 {strides = array<i32>} : memref<800xf32, #tpu.memory_space<vmem>>, vector<16xf32>,
      %get3A_122 = arith.constant 128 : index
      %get3A_123 = tpu.vector_load %arg6[%get3A_122] {strides = array<i32>} : memref<800xi32, #tpu.memory_space<vmem>>, vector<16xi32>,
      %gather3A_124 = tpu.vector_load_idx %arg5[%get3A_123] : memref<16xf32, #tpu.memory_space<vmem>>[vector<16xi32>], vector<16xf32>,
      %swap3A_125 = arith.constant 128 : index
      %swap3A_126 = tpu.vector_load %arg10[%swap3A_125] {strides = array<i32>} : memref<800xf32, #tpu.memory_space<vmem>>, vector<16xf32>,
      tpu.vector_store %arg10[%swap3A_125], %gather3A_124 {strides = array<i32>} : memref<800xf32, #tpu.memory_space<vmem>>, vector<16xf32>,
      %get3A_127 = arith.constant 144 : index
      %get3A_128 = tpu.vector_load %arg6[%get3A_127] {strides = array<i32>} : memref<800xi32, #tpu.memory_space<vmem>>, vector<16xi32>,
      %gather3A_129 = tpu.vector_load_idx %arg5[%get3A_128] : memref<16xf32, #tpu.memory_space<vmem>>[vector<16xi32>], vector<16xf32>,
      %swap3A_130 = arith.constant 144 : index
      %swap3A_131 = tpu.vector_load %arg10[%swap3A_130] {strides = array<i32>} : memref<800xf32, #tpu.memory_space<vmem>>, vector<16xf32>,
      tpu.vector_store %arg10[%swap3A_130], %gather3A_129 {strides = array<i32>} : memref<800xf32, #tpu.memory_space<vmem>>, vector<16xf32>,
      %get3A_132 = arith.constant 160 : index
      %get3A_133 = tpu.vector_load %arg6[%get3A_132] {strides = array<i32>} : memref<800xi32, #tpu.memory_space<vmem>>, vector<16xi32>,
      %gather3A_134 = tpu.vector_load_idx %arg5[%get3A_133] : memref<16xf32, #tpu.memory_space<vmem>>[vector<16xi32>], vector<16xf32>,
      %swap3A_135 = arith.constant 160 : index
      %swap3A_136 = tpu.vector_load %arg10[%swap3A_135] {strides = array<i32>} : memref<800xf32, #tpu.memory_space<vmem>>, vector<16xf32>,
      tpu.vector_store %arg10[%swap3A_135], %gather3A_134 {strides = array<i32>} : memref<800xf32, #tpu.memory_space<vmem>>, vector<16xf32>,
      %get3A_137 = arith.constant 176 : index
      %get3A_138 = tpu.vector_load %arg6[%get3A_137] {strides = array<i32>} : memref<800xi32, #tpu.memory_space<vmem>>, vector<16xi32>,
      %gather3A_139 = tpu.vector_load_idx %arg5[%get3A_138] : memref<16xf32, #tpu.memory_space<vmem>>[vector<16xi32>], vector<16xf32>,
      %swap3A_140 = arith.constant 176 : index
      %swap3A_141 = tpu.vector_load %arg10[%swap3A_140] {strides = array<i32>} : memref<800xf32, #tpu.memory_space<vmem>>, vector<16xf32>,
      tpu.vector_store %arg10[%swap3A_140], %gather3A_139 {strides = array<i32>} : memref<800xf32, #tpu.memory_space<vmem>>, vector<16xf32>,
      %get3A_142 = arith.constant 192 : index
      %get3A_143 = tpu.vector_load %arg6[%get3A_142] {strides = array<i32>} : memref<800xi32, #tpu.memory_space<vmem>>, vector<16xi32>,
      %gather3A_144 = tpu.vector_load_idx %arg5[%get3A_143] : memref<16xf32, #tpu.memory_space<vmem>>[vector<16xi32>], vector<16xf32>,
      %swap3A_145 = arith.constant 192 : index
      %swap3A_146 = tpu.vector_load %arg10[%swap3A_145] {strides = array<i32>} : memref<800xf32, #tpu.memory_space<vmem>>, vector<16xf32>,
      tpu.vector_store %arg10[%swap3A_145], %gather3A_144 {strides = array<i32>} : memref<800xf32, #tpu.memory_space<vmem>>, vector<16xf32>,
      %get3A_147 = arith.constant 208 : index
      %get3A_148 = tpu.vector_load %arg6[%get3A_147] {strides = array<i32>} : memref<800xi32, #tpu.memory_space<vmem>>, vector<16xi32>,
      %gather3A_149 = tpu.vector_load_idx %arg5[%get3A_148] : memref<16xf32, #tpu.memory_space<vmem>>[vector<16xi32>], vector<16xf32>,
      %swap3A_150 = arith.constant 208 : index
      %swap3A_151 = tpu.vector_load %arg10[%swap3A_150] {strides = array<i32>} : memref<800xf32, #tpu.memory_space<vmem>>, vector<16xf32>,
      tpu.vector_store %arg10[%swap3A_150], %gather3A_149 {strides = array<i32>} : memref<800xf32, #tpu.memory_space<vmem>>, vector<16xf32>,
      %get3A_152 = arith.constant 224 : index
      %get3A_153 = tpu.vector_load %arg6[%get3A_152] {strides = array<i32>} : memref<800xi32, #tpu.memory_space<vmem>>, vector<16xi32>,
      %gather3A_154 = tpu.vector_load_idx %arg5[%get3A_153] : memref<16xf32, #tpu.memory_space<vmem>>[vector<16xi32>], vector<16xf32>,
      %swap3A_155 = arith.constant 224 : index
      %swap3A_156 = tpu.vector_load %arg10[%swap3A_155] {strides = array<i32>} : memref<800xf32, #tpu.memory_space<vmem>>, vector<16xf32>,
      tpu.vector_store %arg10[%swap3A_155], %gather3A_154 {strides = array<i32>} : memref<800xf32, #tpu.memory_space<vmem>>, vector<16xf32>,
      %get3A_157 = arith.constant 240 : index
      %get3A_158 = tpu.vector_load %arg6[%get3A_157] {strides = array<i32>} : memref<800xi32, #tpu.memory_space<vmem>>, vector<16xi32>,
      %gather3A_159 = tpu.vector_load_idx %arg5[%get3A_158] : memref<16xf32, #tpu.memory_space<vmem>>[vector<16xi32>], vector<16xf32>,
      %swap3A_160 = arith.constant 240 : index
      %swap3A_161 = tpu.vector_load %arg10[%swap3A_160] {strides = array<i32>} : memref<800xf32, #tpu.memory_space<vmem>>, vector<16xf32>,
      tpu.vector_store %arg10[%swap3A_160], %gather3A_159 {strides = array<i32>} : memref<800xf32, #tpu.memory_space<vmem>>, vector<16xf32>,
      %get3A_162 = arith.constant 256 : index
      %get3A_163 = tpu.vector_load %arg6[%get3A_162] {strides = array<i32>} : memref<800xi32, #tpu.memory_space<vmem>>, vector<16xi32>,
      %gather3A_164 = tpu.vector_load_idx %arg5[%get3A_163] : memref<16xf32, #tpu.memory_space<vmem>>[vector<16xi32>], vector<16xf32>,
      %swap3A_165 = arith.constant 256 : index
      %swap3A_166 = tpu.vector_load %arg10[%swap3A_165] {strides = array<i32>} : memref<800xf32, #tpu.memory_space<vmem>>, vector<16xf32>,
      tpu.vector_store %arg10[%swap3A_165], %gather3A_164 {strides = array<i32>} : memref<800xf32, #tpu.memory_space<vmem>>, vector<16xf32>,
      %get3A_167 = arith.constant 272 : index
      %get3A_168 = tpu.vector_load %arg6[%get3A_167] {strides = array<i32>} : memref<800xi32, #tpu.memory_space<vmem>>, vector<16xi32>,
      %gather3A_169 = tpu.vector_load_idx %arg5[%get3A_168] : memref<16xf32, #tpu.memory_space<vmem>>[vector<16xi32>], vector<16xf32>,
      %swap3A_170 = arith.constant 272 : index
      %swap3A_171 = tpu.vector_load %arg10[%swap3A_170] {strides = array<i32>} : memref<800xf32, #tpu.memory_space<vmem>>, vector<16xf32>,
      tpu.vector_store %arg10[%swap3A_170], %gather3A_169 {strides = array<i32>} : memref<800xf32, #tpu.memory_space<vmem>>, vector<16xf32>,
      %get3A_172 = arith.constant 288 : index
      %get3A_173 = tpu.vector_load %arg6[%get3A_172] {strides = array<i32>} : memref<800xi32, #tpu.memory_space<vmem>>, vector<16xi32>,
      %gather3A_174 = tpu.vector_load_idx %arg5[%get3A_173] : memref<16xf32, #tpu.memory_space<vmem>>[vector<16xi32>], vector<16xf32>,
      %swap3A_175 = arith.constant 288 : index
      %swap3A_176 = tpu.vector_load %arg10[%swap3A_175] {strides = array<i32>} : memref<800xf32, #tpu.memory_space<vmem>>, vector<16xf32>,
      tpu.vector_store %arg10[%swap3A_175], %gather3A_174 {strides = array<i32>} : memref<800xf32, #tpu.memory_space<vmem>>, vector<16xf32>,
      %get3A_177 = arith.constant 304 : index
      %get3A_178 = tpu.vector_load %arg6[%get3A_177] {strides = array<i32>} : memref<800xi32, #tpu.memory_space<vmem>>, vector<16xi32>,
      %gather3A_179 = tpu.vector_load_idx %arg5[%get3A_178] : memref<16xf32, #tpu.memory_space<vmem>>[vector<16xi32>], vector<16xf32>,
      %swap3A_180 = arith.constant 304 : index
      %swap3A_181 = tpu.vector_load %arg10[%swap3A_180] {strides = array<i32>} : memref<800xf32, #tpu.memory_space<vmem>>, vector<16xf32>,
      tpu.vector_store %arg10[%swap3A_180], %gather3A_179 {strides = array<i32>} : memref<800xf32, #tpu.memory_space<vmem>>, vector<16xf32>,
      %get3A_182 = arith.constant 320 : index
      %get3A_183 = tpu.vector_load %arg6[%get3A_182] {strides = array<i32>} : memref<800xi32, #tpu.memory_space<vmem>>, vector<16xi32>,
      %gather3A_184 = tpu.vector_load_idx %arg5[%get3A_183] : memref<16xf32, #tpu.memory_space<vmem>>[vector<16xi32>], vector<16xf32>,
      %swap3A_185 = arith.constant 320 : index
      %swap3A_186 = tpu.vector_load %arg10[%swap3A_185] {strides = array<i32>} : memref<800xf32, #tpu.memory_space<vmem>>, vector<16xf32>,
      tpu.vector_store %arg10[%swap3A_185], %gather3A_184 {strides = array<i32>} : memref<800xf32, #tpu.memory_space<vmem>>, vector<16xf32>,
      %get3A_187 = arith.constant 336 : index
      %get3A_188 = tpu.vector_load %arg6[%get3A_187] {strides = array<i32>} : memref<800xi32, #tpu.memory_space<vmem>>, vector<16xi32>,
      %gather3A_189 = tpu.vector_load_idx %arg5[%get3A_188] : memref<16xf32, #tpu.memory_space<vmem>>[vector<16xi32>], vector<16xf32>,
      %swap3A_190 = arith.constant 336 : index
      %swap3A_191 = tpu.vector_load %arg10[%swap3A_190] {strides = array<i32>} : memref<800xf32, #tpu.memory_space<vmem>>, vector<16xf32>,
      tpu.vector_store %arg10[%swap3A_190], %gather3A_189 {strides = array<i32>} : memref<800xf32, #tpu.memory_space<vmem>>, vector<16xf32>,
      %get3A_192 = arith.constant 352 : index
      %get3A_193 = tpu.vector_load %arg6[%get3A_192] {strides = array<i32>} : memref<800xi32, #tpu.memory_space<vmem>>, vector<16xi32>,
      %gather3A_194 = tpu.vector_load_idx %arg5[%get3A_193] : memref<16xf32, #tpu.memory_space<vmem>>[vector<16xi32>], vector<16xf32>,
      %swap3A_195 = arith.constant 352 : index
      %swap3A_196 = tpu.vector_load %arg10[%swap3A_195] {strides = array<i32>} : memref<800xf32, #tpu.memory_space<vmem>>, vector<16xf32>,
      tpu.vector_store %arg10[%swap3A_195], %gather3A_194 {strides = array<i32>} : memref<800xf32, #tpu.memory_space<vmem>>, vector<16xf32>,
      %get3A_197 = arith.constant 368 : index
      %get3A_198 = tpu.vector_load %arg6[%get3A_197] {strides = array<i32>} : memref<800xi32, #tpu.memory_space<vmem>>, vector<16xi32>,
      %gather3A_199 = tpu.vector_load_idx %arg5[%get3A_198] : memref<16xf32, #tpu.memory_space<vmem>>[vector<16xi32>], vector<16xf32>,
      %swap3A_200 = arith.constant 368 : index
      %swap3A_201 = tpu.vector_load %arg10[%swap3A_200] {strides = array<i32>} : memref<800xf32, #tpu.memory_space<vmem>>, vector<16xf32>,
      tpu.vector_store %arg10[%swap3A_200], %gather3A_199 {strides = array<i32>} : memref<800xf32, #tpu.memory_space<vmem>>, vector<16xf32>,
      %get3A_202 = arith.constant 384 : index
      %get3A_203 = tpu.vector_load %arg6[%get3A_202] {strides = array<i32>} : memref<800xi32, #tpu.memory_space<vmem>>, vector<16xi32>,
      %gather3A_204 = tpu.vector_load_idx %arg5[%get3A_203] : memref<16xf32, #tpu.memory_space<vmem>>[vector<16xi32>], vector<16xf32>,
      %swap3A_205 = arith.constant 384 : index
      %swap3A_206 = tpu.vector_load %arg10[%swap3A_205] {strides = array<i32>} : memref<800xf32, #tpu.memory_space<vmem>>, vector<16xf32>,
      tpu.vector_store %arg10[%swap3A_205], %gather3A_204 {strides = array<i32>} : memref<800xf32, #tpu.memory_space<vmem>>, vector<16xf32>,
      %get3A_207 = arith.constant 400 : index
      %get3A_208 = tpu.vector_load %arg6[%get3A_207] {strides = array<i32>} : memref<800xi32, #tpu.memory_space<vmem>>, vector<16xi32>,
      %gather3A_209 = tpu.vector_load_idx %arg5[%get3A_208] : memref<16xf32, #tpu.memory_space<vmem>>[vector<16xi32>], vector<16xf32>,
      %swap3A_210 = arith.constant 400 : index
      %swap3A_211 = tpu.vector_load %arg10[%swap3A_210] {strides = array<i32>} : memref<800xf32, #tpu.memory_space<vmem>>, vector<16xf32>,
      tpu.vector_store %arg10[%swap3A_210], %gather3A_209 {strides = array<i32>} : memref<800xf32, #tpu.memory_space<vmem>>, vector<16xf32>,
      %get3A_212 = arith.constant 416 : index
      %get3A_213 = tpu.vector_load %arg6[%get3A_212] {strides = array<i32>} : memref<800xi32, #tpu.memory_space<vmem>>, vector<16xi32>,
      %gather3A_214 = tpu.vector_load_idx %arg5[%get3A_213] : memref<16xf32, #tpu.memory_space<vmem>>[vector<16xi32>], vector<16xf32>,
      %swap3A_215 = arith.constant 416 : index
      %swap3A_216 = tpu.vector_load %arg10[%swap3A_215] {strides = array<i32>} : memref<800xf32, #tpu.memory_space<vmem>>, vector<16xf32>,
      tpu.vector_store %arg10[%swap3A_215], %gather3A_214 {strides = array<i32>} : memref<800xf32, #tpu.memory_space<vmem>>, vector<16xf32>,
      %get3A_217 = arith.constant 432 : index
      %get3A_218 = tpu.vector_load %arg6[%get3A_217] {strides = array<i32>} : memref<800xi32, #tpu.memory_space<vmem>>, vector<16xi32>,
      %gather3A_219 = tpu.vector_load_idx %arg5[%get3A_218] : memref<16xf32, #tpu.memory_space<vmem>>[vector<16xi32>], vector<16xf32>,
      %swap3A_220 = arith.constant 432 : index
      %swap3A_221 = tpu.vector_load %arg10[%swap3A_220] {strides = array<i32>} : memref<800xf32, #tpu.memory_space<vmem>>, vector<16xf32>,
      tpu.vector_store %arg10[%swap3A_220], %gather3A_219 {strides = array<i32>} : memref<800xf32, #tpu.memory_space<vmem>>, vector<16xf32>,
      %get3A_222 = arith.constant 448 : index
      %get3A_223 = tpu.vector_load %arg6[%get3A_222] {strides = array<i32>} : memref<800xi32, #tpu.memory_space<vmem>>, vector<16xi32>,
      %gather3A_224 = tpu.vector_load_idx %arg5[%get3A_223] : memref<16xf32, #tpu.memory_space<vmem>>[vector<16xi32>], vector<16xf32>,
      %swap3A_225 = arith.constant 448 : index
      %swap3A_226 = tpu.vector_load %arg10[%swap3A_225] {strides = array<i32>} : memref<800xf32, #tpu.memory_space<vmem>>, vector<16xf32>,
      tpu.vector_store %arg10[%swap3A_225], %gather3A_224 {strides = array<i32>} : memref<800xf32, #tpu.memory_space<vmem>>, vector<16xf32>,
      %get3A_227 = arith.constant 464 : index
      %get3A_228 = tpu.vector_load %arg6[%get3A_227] {strides = array<i32>} : memref<800xi32, #tpu.memory_space<vmem>>, vector<16xi32>,
      %gather3A_229 = tpu.vector_load_idx %arg5[%get3A_228] : memref<16xf32, #tpu.memory_space<vmem>>[vector<16xi32>], vector<16xf32>,
      %swap3A_230 = arith.constant 464 : index
      %swap3A_231 = tpu.vector_load %arg10[%swap3A_230] {strides = array<i32>} : memref<800xf32, #tpu.memory_space<vmem>>, vector<16xf32>,
      tpu.vector_store %arg10[%swap3A_230], %gather3A_229 {strides = array<i32>} : memref<800xf32, #tpu.memory_space<vmem>>, vector<16xf32>,
      %get3A_232 = arith.constant 480 : index
      %get3A_233 = tpu.vector_load %arg6[%get3A_232] {strides = array<i32>} : memref<800xi32, #tpu.memory_space<vmem>>, vector<16xi32>,
      %gather3A_234 = tpu.vector_load_idx %arg5[%get3A_233] : memref<16xf32, #tpu.memory_space<vmem>>[vector<16xi32>], vector<16xf32>,
      %swap3A_235 = arith.constant 480 : index
      %swap3A_236 = tpu.vector_load %arg10[%swap3A_235] {strides = array<i32>} : memref<800xf32, #tpu.memory_space<vmem>>, vector<16xf32>,
      tpu.vector_store %arg10[%swap3A_235], %gather3A_234 {strides = array<i32>} : memref<800xf32, #tpu.memory_space<vmem>>, vector<16xf32>,
      %get3A_237 = arith.constant 496 : index
      %get3A_238 = tpu.vector_load %arg6[%get3A_237] {strides = array<i32>} : memref<800xi32, #tpu.memory_space<vmem>>, vector<16xi32>,
      %gather3A_239 = tpu.vector_load_idx %arg5[%get3A_238] : memref<16xf32, #tpu.memory_space<vmem>>[vector<16xi32>], vector<16xf32>,
      %swap3A_240 = arith.constant 496 : index
      %swap3A_241 = tpu.vector_load %arg10[%swap3A_240] {strides = array<i32>} : memref<800xf32, #tpu.memory_space<vmem>>, vector<16xf32>,
      tpu.vector_store %arg10[%swap3A_240], %gather3A_239 {strides = array<i32>} : memref<800xf32, #tpu.memory_space<vmem>>, vector<16xf32>,
      %get3A_242 = arith.constant 512 : index
      %get3A_243 = tpu.vector_load %arg6[%get3A_242] {strides = array<i32>} : memref<800xi32, #tpu.memory_space<vmem>>, vector<16xi32>,
      %gather3A_244 = tpu.vector_load_idx %arg5[%get3A_243] : memref<16xf32, #tpu.memory_space<vmem>>[vector<16xi32>], vector<16xf32>,
      %swap3A_245 = arith.constant 512 : index
      %swap3A_246 = tpu.vector_load %arg10[%swap3A_245] {strides = array<i32>} : memref<800xf32, #tpu.memory_space<vmem>>, vector<16xf32>,
      tpu.vector_store %arg10[%swap3A_245], %gather3A_244 {strides = array<i32>} : memref<800xf32, #tpu.memory_space<vmem>>, vector<16xf32>,
      %get3A_247 = arith.constant 528 : index
      %get3A_248 = tpu.vector_load %arg6[%get3A_247] {strides = array<i32>} : memref<800xi32, #tpu.memory_space<vmem>>, vector<16xi32>,
      %gather3A_249 = tpu.vector_load_idx %arg5[%get3A_248] : memref<16xf32, #tpu.memory_space<vmem>>[vector<16xi32>], vector<16xf32>,
      %swap3A_250 = arith.constant 528 : index
      %swap3A_251 = tpu.vector_load %arg10[%swap3A_250] {strides = array<i32>} : memref<800xf32, #tpu.memory_space<vmem>>, vector<16xf32>,
      tpu.vector_store %arg10[%swap3A_250], %gather3A_249 {strides = array<i32>} : memref<800xf32, #tpu.memory_space<vmem>>, vector<16xf32>,
      %get3A_252 = arith.constant 544 : index
      %get3A_253 = tpu.vector_load %arg6[%get3A_252] {strides = array<i32>} : memref<800xi32, #tpu.memory_space<vmem>>, vector<16xi32>,
      %gather3A_254 = tpu.vector_load_idx %arg5[%get3A_253] : memref<16xf32, #tpu.memory_space<vmem>>[vector<16xi32>], vector<16xf32>,
      %swap3A_255 = arith.constant 544 : index
      %swap3A_256 = tpu.vector_load %arg10[%swap3A_255] {strides = array<i32>} : memref<800xf32, #tpu.memory_space<vmem>>, vector<16xf32>,
      tpu.vector_store %arg10[%swap3A_255], %gather3A_254 {strides = array<i32>} : memref<800xf32, #tpu.memory_space<vmem>>, vector<16xf32>,
      %get3A_257 = arith.constant 560 : index
      %get3A_258 = tpu.vector_load %arg6[%get3A_257] {strides = array<i32>} : memref<800xi32, #tpu.memory_space<vmem>>, vector<16xi32>,
      %gather3A_259 = tpu.vector_load_idx %arg5[%get3A_258] : memref<16xf32, #tpu.memory_space<vmem>>[vector<16xi32>], vector<16xf32>,
      %swap3A_260 = arith.constant 560 : index
      %swap3A_261 = tpu.vector_load %arg10[%swap3A_260] {strides = array<i32>} : memref<800xf32, #tpu.memory_space<vmem>>, vector<16xf32>,
      tpu.vector_store %arg10[%swap3A_260], %gather3A_259 {strides = array<i32>} : memref<800xf32, #tpu.memory_space<vmem>>, vector<16xf32>,
      %get3A_262 = arith.constant 576 : index
      %get3A_263 = tpu.vector_load %arg6[%get3A_262] {strides = array<i32>} : memref<800xi32, #tpu.memory_space<vmem>>, vector<16xi32>,
      %gather3A_264 = tpu.vector_load_idx %arg5[%get3A_263] : memref<16xf32, #tpu.memory_space<vmem>>[vector<16xi32>], vector<16xf32>,
      %swap3A_265 = arith.constant 576 : index
      %swap3A_266 = tpu.vector_load %arg10[%swap3A_265] {strides = array<i32>} : memref<800xf32, #tpu.memory_space<vmem>>, vector<16xf32>,
      tpu.vector_store %arg10[%swap3A_265], %gather3A_264 {strides = array<i32>} : memref<800xf32, #tpu.memory_space<vmem>>, vector<16xf32>,
      %get3A_267 = arith.constant 592 : index
      %get3A_268 = tpu.vector_load %arg6[%get3A_267] {strides = array<i32>} : memref<800xi32, #tpu.memory_space<vmem>>, vector<16xi32>,
      %gather3A_269 = tpu.vector_load_idx %arg5[%get3A_268] : memref<16xf32, #tpu.memory_space<vmem>>[vector<16xi32>], vector<16xf32>,
      %swap3A_270 = arith.constant 592 : index
      %swap3A_271 = tpu.vector_load %arg10[%swap3A_270] {strides = array<i32>} : memref<800xf32, #tpu.memory_space<vmem>>, vector<16xf32>,
      tpu.vector_store %arg10[%swap3A_270], %gather3A_269 {strides = array<i32>} : memref<800xf32, #tpu.memory_space<vmem>>, vector<16xf32>,
      %get3A_272 = arith.constant 608 : index
      %get3A_273 = tpu.vector_load %arg6[%get3A_272] {strides = array<i32>} : memref<800xi32, #tpu.memory_space<vmem>>, vector<16xi32>,
      %gather3A_274 = tpu.vector_load_idx %arg5[%get3A_273] : memref<16xf32, #tpu.memory_space<vmem>>[vector<16xi32>], vector<16xf32>,
      %swap3A_275 = arith.constant 608 : index
      %swap3A_276 = tpu.vector_load %arg10[%swap3A_275] {strides = array<i32>} : memref<800xf32, #tpu.memory_space<vmem>>, vector<16xf32>,
      tpu.vector_store %arg10[%swap3A_275], %gather3A_274 {strides = array<i32>} : memref<800xf32, #tpu.memory_space<vmem>>, vector<16xf32>,
      %get3A_277 = arith.constant 624 : index
      %get3A_278 = tpu.vector_load %arg6[%get3A_277] {strides = array<i32>} : memref<800xi32, #tpu.memory_space<vmem>>, vector<16xi32>,
      %gather3A_279 = tpu.vector_load_idx %arg5[%get3A_278] : memref<16xf32, #tpu.memory_space<vmem>>[vector<16xi32>], vector<16xf32>,
      %swap3A_280 = arith.constant 624 : index
      %swap3A_281 = tpu.vector_load %arg10[%swap3A_280] {strides = array<i32>} : memref<800xf32, #tpu.memory_space<vmem>>, vector<16xf32>,
      tpu.vector_store %arg10[%swap3A_280], %gather3A_279 {strides = array<i32>} : memref<800xf32, #tpu.memory_space<vmem>>, vector<16xf32>,
      %get3A_282 = arith.constant 640 : index
      %get3A_283 = tpu.vector_load %arg6[%get3A_282] {strides = array<i32>} : memref<800xi32, #tpu.memory_space<vmem>>, vector<16xi32>,
      %gather3A_284 = tpu.vector_load_idx %arg5[%get3A_283] : memref<16xf32, #tpu.memory_space<vmem>>[vector<16xi32>], vector<16xf32>,
      %swap3A_285 = arith.constant 640 : index
      %swap3A_286 = tpu.vector_load %arg10[%swap3A_285] {strides = array<i32>} : memref<800xf32, #tpu.memory_space<vmem>>, vector<16xf32>,
      tpu.vector_store %arg10[%swap3A_285], %gather3A_284 {strides = array<i32>} : memref<800xf32, #tpu.memory_space<vmem>>, vector<16xf32>,
      %get3A_287 = arith.constant 656 : index
      %get3A_288 = tpu.vector_load %arg6[%get3A_287] {strides = array<i32>} : memref<800xi32, #tpu.memory_space<vmem>>, vector<16xi32>,
      %gather3A_289 = tpu.vector_load_idx %arg5[%get3A_288] : memref<16xf32, #tpu.memory_space<vmem>>[vector<16xi32>], vector<16xf32>,
      %swap3A_290 = arith.constant 656 : index
      %swap3A_291 = tpu.vector_load %arg10[%swap3A_290] {strides = array<i32>} : memref<800xf32, #tpu.memory_space<vmem>>, vector<16xf32>,
      tpu.vector_store %arg10[%swap3A_290], %gather3A_289 {strides = array<i32>} : memref<800xf32, #tpu.memory_space<vmem>>, vector<16xf32>,
      %get3A_292 = arith.constant 672 : index
      %get3A_293 = tpu.vector_load %arg6[%get3A_292] {strides = array<i32>} : memref<800xi32, #tpu.memory_space<vmem>>, vector<16xi32>,
      %gather3A_294 = tpu.vector_load_idx %arg5[%get3A_293] : memref<16xf32, #tpu.memory_space<vmem>>[vector<16xi32>], vector<16xf32>,
      %swap3A_295 = arith.constant 672 : index
      %swap3A_296 = tpu.vector_load %arg10[%swap3A_295] {strides = array<i32>} : memref<800xf32, #tpu.memory_space<vmem>>, vector<16xf32>,
      tpu.vector_store %arg10[%swap3A_295], %gather3A_294 {strides = array<i32>} : memref<800xf32, #tpu.memory_space<vmem>>, vector<16xf32>,
      %get3A_297 = arith.constant 688 : index
      %get3A_298 = tpu.vector_load %arg6[%get3A_297] {strides = array<i32>} : memref<800xi32, #tpu.memory_space<vmem>>, vector<16xi32>,
      %gather3A_299 = tpu.vector_load_idx %arg5[%get3A_298] : memref<16xf32, #tpu.memory_space<vmem>>[vector<16xi32>], vector<16xf32>,
      %swap3A_300 = arith.constant 688 : index
      %swap3A_301 = tpu.vector_load %arg10[%swap3A_300] {strides = array<i32>} : memref<800xf32, #tpu.memory_space<vmem>>, vector<16xf32>,
      tpu.vector_store %arg10[%swap3A_300], %gather3A_299 {strides = array<i32>} : memref<800xf32, #tpu.memory_space<vmem>>, vector<16xf32>,
      %get3A_302 = arith.constant 704 : index
      %get3A_303 = tpu.vector_load %arg6[%get3A_302] {strides = array<i32>} : memref<800xi32, #tpu.memory_space<vmem>>, vector<16xi32>,
      %gather3A_304 = tpu.vector_load_idx %arg5[%get3A_303] : memref<16xf32, #tpu.memory_space<vmem>>[vector<16xi32>], vector<16xf32>,
      %swap3A_305 = arith.constant 704 : index
      %swap3A_306 = tpu.vector_load %arg10[%swap3A_305] {strides = array<i32>} : memref<800xf32, #tpu.memory_space<vmem>>, vector<16xf32>,
      tpu.vector_store %arg10[%swap3A_305], %gather3A_304 {strides = array<i32>} : memref<800xf32, #tpu.memory_space<vmem>>, vector<16xf32>,
      %get3A_307 = arith.constant 720 : index
      %get3A_308 = tpu.vector_load %arg6[%get3A_307] {strides = array<i32>} : memref<800xi32, #tpu.memory_space<vmem>>, vector<16xi32>,
      %gather3A_309 = tpu.vector_load_idx %arg5[%get3A_308] : memref<16xf32, #tpu.memory_space<vmem>>[vector<16xi32>], vector<16xf32>,
      %swap3A_310 = arith.constant 720 : index
      %swap3A_311 = tpu.vector_load %arg10[%swap3A_310] {strides = array<i32>} : memref<800xf32, #tpu.memory_space<vmem>>, vector<16xf32>,
      tpu.vector_store %arg10[%swap3A_310], %gather3A_309 {strides = array<i32>} : memref<800xf32, #tpu.memory_space<vmem>>, vector<16xf32>,
      %get3A_312 = arith.constant 736 : index
      %get3A_313 = tpu.vector_load %arg6[%get3A_312] {strides = array<i32>} : memref<800xi32, #tpu.memory_space<vmem>>, vector<16xi32>,
      %gather3A_314 = tpu.vector_load_idx %arg5[%get3A_313] : memref<16xf32, #tpu.memory_space<vmem>>[vector<16xi32>], vector<16xf32>,
      %swap3A_315 = arith.constant 736 : index
      %swap3A_316 = tpu.vector_load %arg10[%swap3A_315] {strides = array<i32>} : memref<800xf32, #tpu.memory_space<vmem>>, vector<16xf32>,
      tpu.vector_store %arg10[%swap3A_315], %gather3A_314 {strides = array<i32>} : memref<800xf32, #tpu.memory_space<vmem>>, vector<16xf32>,
      %get3A_317 = arith.constant 752 : index
      %get3A_318 = tpu.vector_load %arg6[%get3A_317] {strides = array<i32>} : memref<800xi32, #tpu.memory_space<vmem>>, vector<16xi32>,
      %gather3A_319 = tpu.vector_load_idx %arg5[%get3A_318] : memref<16xf32, #tpu.memory_space<vmem>>[vector<16xi32>], vector<16xf32>,
      %swap3A_320 = arith.constant 752 : index
      %swap3A_321 = tpu.vector_load %arg10[%swap3A_320] {strides = array<i32>} : memref<800xf32, #tpu.memory_space<vmem>>, vector<16xf32>,
      tpu.vector_store %arg10[%swap3A_320], %gather3A_319 {strides = array<i32>} : memref<800xf32, #tpu.memory_space<vmem>>, vector<16xf32>,
      %get3A_322 = arith.constant 768 : index
      %get3A_323 = tpu.vector_load %arg6[%get3A_322] {strides = array<i32>} : memref<800xi32, #tpu.memory_space<vmem>>, vector<16xi32>,
      %gather3A_324 = tpu.vector_load_idx %arg5[%get3A_323] : memref<16xf32, #tpu.memory_space<vmem>>[vector<16xi32>], vector<16xf32>,
      %swap3A_325 = arith.constant 768 : index
      %swap3A_326 = tpu.vector_load %arg10[%swap3A_325] {strides = array<i32>} : memref<800xf32, #tpu.memory_space<vmem>>, vector<16xf32>,
      tpu.vector_store %arg10[%swap3A_325], %gather3A_324 {strides = array<i32>} : memref<800xf32, #tpu.memory_space<vmem>>, vector<16xf32>,
      %get3A_327 = arith.constant 784 : index
      %get3A_328 = tpu.vector_load %arg6[%get3A_327] {strides = array<i32>} : memref<800xi32, #tpu.memory_space<vmem>>, vector<16xi32>,
      %gather3A_329 = tpu.vector_load_idx %arg5[%get3A_328] : memref<16xf32, #tpu.memory_space<vmem>>[vector<16xi32>], vector<16xf32>,
      %swap3A_330 = arith.constant 784 : index
      %swap3A_331 = tpu.vector_load %arg10[%swap3A_330] {strides = array<i32>} : memref<800xf32, #tpu.memory_space<vmem>>, vector<16xf32>,
      tpu.vector_store %arg10[%swap3A_330], %gather3A_329 {strides = array<i32>} : memref<800xf32, #tpu.memory_space<vmem>>, vector<16xf32>,
      %mul3A_332 = arith.constant 800 : i32
      %mul3A_333 = arith.muli %add3A_27, %mul3A_332 : i32
      %dma_start3A = tpu.memref_slice %arg4[%mul3A_333] : memref<100000xf32, #tpu.memory_space<hbm>> -> memref<800xf32, #tpu.memory_space<hbm>>
      %dma_start3A_334 = tpu.memref_slice %arg4[%mul3A_333] : memref<100000xf32, #tpu.memory_space<hbm>> -> memref<800xf32, #tpu.memory_space<hbm>>
      tpu.enqueue_dma source(%arg10 : memref<800xf32, #tpu.memory_space<vmem>>) target(%dma_start3A_334 : memref<800xf32, #tpu.memory_space<hbm>>) target_semaphore(%arg18 : memref<!tpu.dma_semaphore, #tpu.memory_space<semaphore_mem>>)
    } else {
    }
    %add3A_33 = arith.constant 32 : i32
    %add3A_34 = arith.addi %add3A, %add3A_33 : i32
    %lt3A_35 = arith.constant 125 : i32
    %lt3A_36 = arith.cmpi slt, %add3A_34, %lt3A_35 : i32
    %convert_element_type3A_37 = arith.extui %lt3A_36 : i1 to i32
    %cond3A_38 = arith.constant 0 : i32
    %cond3A_39 = arith.cmpi ne, %convert_element_type3A_37, %cond3A_38 : i32
    scf.if %cond3A_39 {
      %mul3A_82 = arith.constant 800 : i32
      %mul3A_83 = arith.muli %add3A_34, %mul3A_82 : i32
      %dma_wait3A = tpu.memref_slice %arg2[%mul3A_83] : memref<100000xi32, #tpu.memory_space<hbm>> -> memref<800xi32, #tpu.memory_space<hbm>>
      %dma_wait3A_84 = tpu.memref_slice %arg2[%mul3A_83] : memref<100000xi32, #tpu.memory_space<hbm>> -> memref<800xi32, #tpu.memory_space<hbm>>
      tpu.wait_dma2 semaphore(%arg15 : memref<!tpu.dma_semaphore, #tpu.memory_space<semaphore_mem>>) src(%dma_wait3A_84 : memref<800xi32, #tpu.memory_space<hbm>>) dst(%arg7 : memref<800xi32, #tpu.memory_space<vmem>>)
      %get3A = arith.constant 0 : index
      %get3A_85 = tpu.vector_load %arg7[%get3A] {strides = array<i32>} : memref<800xi32, #tpu.memory_space<vmem>>, vector<16xi32>,
      %gather3A = tpu.vector_load_idx %arg5[%get3A_85] : memref<16xf32, #tpu.memory_space<vmem>>[vector<16xi32>], vector<16xf32>,
      %swap3A = arith.constant 0 : index
      %swap3A_86 = tpu.vector_load %arg11[%swap3A] {strides = array<i32>} : memref<800xf32, #tpu.memory_space<vmem>>, vector<16xf32>,
      tpu.vector_store %arg11[%swap3A], %gather3A {strides = array<i32>} : memref<800xf32, #tpu.memory_space<vmem>>, vector<16xf32>,
      %get3A_87 = arith.constant 16 : index
      %get3A_88 = tpu.vector_load %arg7[%get3A_87] {strides = array<i32>} : memref<800xi32, #tpu.memory_space<vmem>>, vector<16xi32>,
      %gather3A_89 = tpu.vector_load_idx %arg5[%get3A_88] : memref<16xf32, #tpu.memory_space<vmem>>[vector<16xi32>], vector<16xf32>,
      %swap3A_90 = arith.constant 16 : index
      %swap3A_91 = tpu.vector_load %arg11[%swap3A_90] {strides = array<i32>} : memref<800xf32, #tpu.memory_space<vmem>>, vector<16xf32>,
      tpu.vector_store %arg11[%swap3A_90], %gather3A_89 {strides = array<i32>} : memref<800xf32, #tpu.memory_space<vmem>>, vector<16xf32>,
      %get3A_92 = arith.constant 32 : index
      %get3A_93 = tpu.vector_load %arg7[%get3A_92] {strides = array<i32>} : memref<800xi32, #tpu.memory_space<vmem>>, vector<16xi32>,
      %gather3A_94 = tpu.vector_load_idx %arg5[%get3A_93] : memref<16xf32, #tpu.memory_space<vmem>>[vector<16xi32>], vector<16xf32>,
      %swap3A_95 = arith.constant 32 : index
      %swap3A_96 = tpu.vector_load %arg11[%swap3A_95] {strides = array<i32>} : memref<800xf32, #tpu.memory_space<vmem>>, vector<16xf32>,
      tpu.vector_store %arg11[%swap3A_95], %gather3A_94 {strides = array<i32>} : memref<800xf32, #tpu.memory_space<vmem>>, vector<16xf32>,
      %get3A_97 = arith.constant 48 : index
      %get3A_98 = tpu.vector_load %arg7[%get3A_97] {strides = array<i32>} : memref<800xi32, #tpu.memory_space<vmem>>, vector<16xi32>,
      %gather3A_99 = tpu.vector_load_idx %arg5[%get3A_98] : memref<16xf32, #tpu.memory_space<vmem>>[vector<16xi32>], vector<16xf32>,
      %swap3A_100 = arith.constant 48 : index
      %swap3A_101 = tpu.vector_load %arg11[%swap3A_100] {strides = array<i32>} : memref<800xf32, #tpu.memory_space<vmem>>, vector<16xf32>,
      tpu.vector_store %arg11[%swap3A_100], %gather3A_99 {strides = array<i32>} : memref<800xf32, #tpu.memory_space<vmem>>, vector<16xf32>,
      %get3A_102 = arith.constant 64 : index
      %get3A_103 = tpu.vector_load %arg7[%get3A_102] {strides = array<i32>} : memref<800xi32, #tpu.memory_space<vmem>>, vector<16xi32>,
      %gather3A_104 = tpu.vector_load_idx %arg5[%get3A_103] : memref<16xf32, #tpu.memory_space<vmem>>[vector<16xi32>], vector<16xf32>,
      %swap3A_105 = arith.constant 64 : index
      %swap3A_106 = tpu.vector_load %arg11[%swap3A_105] {strides = array<i32>} : memref<800xf32, #tpu.memory_space<vmem>>, vector<16xf32>,
      tpu.vector_store %arg11[%swap3A_105], %gather3A_104 {strides = array<i32>} : memref<800xf32, #tpu.memory_space<vmem>>, vector<16xf32>,
      %get3A_107 = arith.constant 80 : index
      %get3A_108 = tpu.vector_load %arg7[%get3A_107] {strides = array<i32>} : memref<800xi32, #tpu.memory_space<vmem>>, vector<16xi32>,
      %gather3A_109 = tpu.vector_load_idx %arg5[%get3A_108] : memref<16xf32, #tpu.memory_space<vmem>>[vector<16xi32>], vector<16xf32>,
      %swap3A_110 = arith.constant 80 : index
      %swap3A_111 = tpu.vector_load %arg11[%swap3A_110] {strides = array<i32>} : memref<800xf32, #tpu.memory_space<vmem>>, vector<16xf32>,
      tpu.vector_store %arg11[%swap3A_110], %gather3A_109 {strides = array<i32>} : memref<800xf32, #tpu.memory_space<vmem>>, vector<16xf32>,
      %get3A_112 = arith.constant 96 : index
      %get3A_113 = tpu.vector_load %arg7[%get3A_112] {strides = array<i32>} : memref<800xi32, #tpu.memory_space<vmem>>, vector<16xi32>,
      %gather3A_114 = tpu.vector_load_idx %arg5[%get3A_113] : memref<16xf32, #tpu.memory_space<vmem>>[vector<16xi32>], vector<16xf32>,
      %swap3A_115 = arith.constant 96 : index
      %swap3A_116 = tpu.vector_load %arg11[%swap3A_115] {strides = array<i32>} : memref<800xf32, #tpu.memory_space<vmem>>, vector<16xf32>,
      tpu.vector_store %arg11[%swap3A_115], %gather3A_114 {strides = array<i32>} : memref<800xf32, #tpu.memory_space<vmem>>, vector<16xf32>,
      %get3A_117 = arith.constant 112 : index
      %get3A_118 = tpu.vector_load %arg7[%get3A_117] {strides = array<i32>} : memref<800xi32, #tpu.memory_space<vmem>>, vector<16xi32>,
      %gather3A_119 = tpu.vector_load_idx %arg5[%get3A_118] : memref<16xf32, #tpu.memory_space<vmem>>[vector<16xi32>], vector<16xf32>,
      %swap3A_120 = arith.constant 112 : index
      %swap3A_121 = tpu.vector_load %arg11[%swap3A_120] {strides = array<i32>} : memref<800xf32, #tpu.memory_space<vmem>>, vector<16xf32>,
      tpu.vector_store %arg11[%swap3A_120], %gather3A_119 {strides = array<i32>} : memref<800xf32, #tpu.memory_space<vmem>>, vector<16xf32>,
      %get3A_122 = arith.constant 128 : index
      %get3A_123 = tpu.vector_load %arg7[%get3A_122] {strides = array<i32>} : memref<800xi32, #tpu.memory_space<vmem>>, vector<16xi32>,
      %gather3A_124 = tpu.vector_load_idx %arg5[%get3A_123] : memref<16xf32, #tpu.memory_space<vmem>>[vector<16xi32>], vector<16xf32>,
      %swap3A_125 = arith.constant 128 : index
      %swap3A_126 = tpu.vector_load %arg11[%swap3A_125] {strides = array<i32>} : memref<800xf32, #tpu.memory_space<vmem>>, vector<16xf32>,
      tpu.vector_store %arg11[%swap3A_125], %gather3A_124 {strides = array<i32>} : memref<800xf32, #tpu.memory_space<vmem>>, vector<16xf32>,
      %get3A_127 = arith.constant 144 : index
      %get3A_128 = tpu.vector_load %arg7[%get3A_127] {strides = array<i32>} : memref<800xi32, #tpu.memory_space<vmem>>, vector<16xi32>,
      %gather3A_129 = tpu.vector_load_idx %arg5[%get3A_128] : memref<16xf32, #tpu.memory_space<vmem>>[vector<16xi32>], vector<16xf32>,
      %swap3A_130 = arith.constant 144 : index
      %swap3A_131 = tpu.vector_load %arg11[%swap3A_130] {strides = array<i32>} : memref<800xf32, #tpu.memory_space<vmem>>, vector<16xf32>,
      tpu.vector_store %arg11[%swap3A_130], %gather3A_129 {strides = array<i32>} : memref<800xf32, #tpu.memory_space<vmem>>, vector<16xf32>,
      %get3A_132 = arith.constant 160 : index
      %get3A_133 = tpu.vector_load %arg7[%get3A_132] {strides = array<i32>} : memref<800xi32, #tpu.memory_space<vmem>>, vector<16xi32>,
      %gather3A_134 = tpu.vector_load_idx %arg5[%get3A_133] : memref<16xf32, #tpu.memory_space<vmem>>[vector<16xi32>], vector<16xf32>,
      %swap3A_135 = arith.constant 160 : index
      %swap3A_136 = tpu.vector_load %arg11[%swap3A_135] {strides = array<i32>} : memref<800xf32, #tpu.memory_space<vmem>>, vector<16xf32>,
      tpu.vector_store %arg11[%swap3A_135], %gather3A_134 {strides = array<i32>} : memref<800xf32, #tpu.memory_space<vmem>>, vector<16xf32>,
      %get3A_137 = arith.constant 176 : index
      %get3A_138 = tpu.vector_load %arg7[%get3A_137] {strides = array<i32>} : memref<800xi32, #tpu.memory_space<vmem>>, vector<16xi32>,
      %gather3A_139 = tpu.vector_load_idx %arg5[%get3A_138] : memref<16xf32, #tpu.memory_space<vmem>>[vector<16xi32>], vector<16xf32>,
      %swap3A_140 = arith.constant 176 : index
      %swap3A_141 = tpu.vector_load %arg11[%swap3A_140] {strides = array<i32>} : memref<800xf32, #tpu.memory_space<vmem>>, vector<16xf32>,
      tpu.vector_store %arg11[%swap3A_140], %gather3A_139 {strides = array<i32>} : memref<800xf32, #tpu.memory_space<vmem>>, vector<16xf32>,
      %get3A_142 = arith.constant 192 : index
      %get3A_143 = tpu.vector_load %arg7[%get3A_142] {strides = array<i32>} : memref<800xi32, #tpu.memory_space<vmem>>, vector<16xi32>,
      %gather3A_144 = tpu.vector_load_idx %arg5[%get3A_143] : memref<16xf32, #tpu.memory_space<vmem>>[vector<16xi32>], vector<16xf32>,
      %swap3A_145 = arith.constant 192 : index
      %swap3A_146 = tpu.vector_load %arg11[%swap3A_145] {strides = array<i32>} : memref<800xf32, #tpu.memory_space<vmem>>, vector<16xf32>,
      tpu.vector_store %arg11[%swap3A_145], %gather3A_144 {strides = array<i32>} : memref<800xf32, #tpu.memory_space<vmem>>, vector<16xf32>,
      %get3A_147 = arith.constant 208 : index
      %get3A_148 = tpu.vector_load %arg7[%get3A_147] {strides = array<i32>} : memref<800xi32, #tpu.memory_space<vmem>>, vector<16xi32>,
      %gather3A_149 = tpu.vector_load_idx %arg5[%get3A_148] : memref<16xf32, #tpu.memory_space<vmem>>[vector<16xi32>], vector<16xf32>,
      %swap3A_150 = arith.constant 208 : index
      %swap3A_151 = tpu.vector_load %arg11[%swap3A_150] {strides = array<i32>} : memref<800xf32, #tpu.memory_space<vmem>>, vector<16xf32>,
      tpu.vector_store %arg11[%swap3A_150], %gather3A_149 {strides = array<i32>} : memref<800xf32, #tpu.memory_space<vmem>>, vector<16xf32>,
      %get3A_152 = arith.constant 224 : index
      %get3A_153 = tpu.vector_load %arg7[%get3A_152] {strides = array<i32>} : memref<800xi32, #tpu.memory_space<vmem>>, vector<16xi32>,
      %gather3A_154 = tpu.vector_load_idx %arg5[%get3A_153] : memref<16xf32, #tpu.memory_space<vmem>>[vector<16xi32>], vector<16xf32>,
      %swap3A_155 = arith.constant 224 : index
      %swap3A_156 = tpu.vector_load %arg11[%swap3A_155] {strides = array<i32>} : memref<800xf32, #tpu.memory_space<vmem>>, vector<16xf32>,
      tpu.vector_store %arg11[%swap3A_155], %gather3A_154 {strides = array<i32>} : memref<800xf32, #tpu.memory_space<vmem>>, vector<16xf32>,
      %get3A_157 = arith.constant 240 : index
      %get3A_158 = tpu.vector_load %arg7[%get3A_157] {strides = array<i32>} : memref<800xi32, #tpu.memory_space<vmem>>, vector<16xi32>,
      %gather3A_159 = tpu.vector_load_idx %arg5[%get3A_158] : memref<16xf32, #tpu.memory_space<vmem>>[vector<16xi32>], vector<16xf32>,
      %swap3A_160 = arith.constant 240 : index
      %swap3A_161 = tpu.vector_load %arg11[%swap3A_160] {strides = array<i32>} : memref<800xf32, #tpu.memory_space<vmem>>, vector<16xf32>,
      tpu.vector_store %arg11[%swap3A_160], %gather3A_159 {strides = array<i32>} : memref<800xf32, #tpu.memory_space<vmem>>, vector<16xf32>,
      %get3A_162 = arith.constant 256 : index
      %get3A_163 = tpu.vector_load %arg7[%get3A_162] {strides = array<i32>} : memref<800xi32, #tpu.memory_space<vmem>>, vector<16xi32>,
      %gather3A_164 = tpu.vector_load_idx %arg5[%get3A_163] : memref<16xf32, #tpu.memory_space<vmem>>[vector<16xi32>], vector<16xf32>,
      %swap3A_165 = arith.constant 256 : index
      %swap3A_166 = tpu.vector_load %arg11[%swap3A_165] {strides = array<i32>} : memref<800xf32, #tpu.memory_space<vmem>>, vector<16xf32>,
      tpu.vector_store %arg11[%swap3A_165], %gather3A_164 {strides = array<i32>} : memref<800xf32, #tpu.memory_space<vmem>>, vector<16xf32>,
      %get3A_167 = arith.constant 272 : index
      %get3A_168 = tpu.vector_load %arg7[%get3A_167] {strides = array<i32>} : memref<800xi32, #tpu.memory_space<vmem>>, vector<16xi32>,
      %gather3A_169 = tpu.vector_load_idx %arg5[%get3A_168] : memref<16xf32, #tpu.memory_space<vmem>>[vector<16xi32>], vector<16xf32>,
      %swap3A_170 = arith.constant 272 : index
      %swap3A_171 = tpu.vector_load %arg11[%swap3A_170] {strides = array<i32>} : memref<800xf32, #tpu.memory_space<vmem>>, vector<16xf32>,
      tpu.vector_store %arg11[%swap3A_170], %gather3A_169 {strides = array<i32>} : memref<800xf32, #tpu.memory_space<vmem>>, vector<16xf32>,
      %get3A_172 = arith.constant 288 : index
      %get3A_173 = tpu.vector_load %arg7[%get3A_172] {strides = array<i32>} : memref<800xi32, #tpu.memory_space<vmem>>, vector<16xi32>,
      %gather3A_174 = tpu.vector_load_idx %arg5[%get3A_173] : memref<16xf32, #tpu.memory_space<vmem>>[vector<16xi32>], vector<16xf32>,
      %swap3A_175 = arith.constant 288 : index
      %swap3A_176 = tpu.vector_load %arg11[%swap3A_175] {strides = array<i32>} : memref<800xf32, #tpu.memory_space<vmem>>, vector<16xf32>,
      tpu.vector_store %arg11[%swap3A_175], %gather3A_174 {strides = array<i32>} : memref<800xf32, #tpu.memory_space<vmem>>, vector<16xf32>,
      %get3A_177 = arith.constant 304 : index
      %get3A_178 = tpu.vector_load %arg7[%get3A_177] {strides = array<i32>} : memref<800xi32, #tpu.memory_space<vmem>>, vector<16xi32>,
      %gather3A_179 = tpu.vector_load_idx %arg5[%get3A_178] : memref<16xf32, #tpu.memory_space<vmem>>[vector<16xi32>], vector<16xf32>,
      %swap3A_180 = arith.constant 304 : index
      %swap3A_181 = tpu.vector_load %arg11[%swap3A_180] {strides = array<i32>} : memref<800xf32, #tpu.memory_space<vmem>>, vector<16xf32>,
      tpu.vector_store %arg11[%swap3A_180], %gather3A_179 {strides = array<i32>} : memref<800xf32, #tpu.memory_space<vmem>>, vector<16xf32>,
      %get3A_182 = arith.constant 320 : index
      %get3A_183 = tpu.vector_load %arg7[%get3A_182] {strides = array<i32>} : memref<800xi32, #tpu.memory_space<vmem>>, vector<16xi32>,
      %gather3A_184 = tpu.vector_load_idx %arg5[%get3A_183] : memref<16xf32, #tpu.memory_space<vmem>>[vector<16xi32>], vector<16xf32>,
      %swap3A_185 = arith.constant 320 : index
      %swap3A_186 = tpu.vector_load %arg11[%swap3A_185] {strides = array<i32>} : memref<800xf32, #tpu.memory_space<vmem>>, vector<16xf32>,
      tpu.vector_store %arg11[%swap3A_185], %gather3A_184 {strides = array<i32>} : memref<800xf32, #tpu.memory_space<vmem>>, vector<16xf32>,
      %get3A_187 = arith.constant 336 : index
      %get3A_188 = tpu.vector_load %arg7[%get3A_187] {strides = array<i32>} : memref<800xi32, #tpu.memory_space<vmem>>, vector<16xi32>,
      %gather3A_189 = tpu.vector_load_idx %arg5[%get3A_188] : memref<16xf32, #tpu.memory_space<vmem>>[vector<16xi32>], vector<16xf32>,
      %swap3A_190 = arith.constant 336 : index
      %swap3A_191 = tpu.vector_load %arg11[%swap3A_190] {strides = array<i32>} : memref<800xf32, #tpu.memory_space<vmem>>, vector<16xf32>,
      tpu.vector_store %arg11[%swap3A_190], %gather3A_189 {strides = array<i32>} : memref<800xf32, #tpu.memory_space<vmem>>, vector<16xf32>,
      %get3A_192 = arith.constant 352 : index
      %get3A_193 = tpu.vector_load %arg7[%get3A_192] {strides = array<i32>} : memref<800xi32, #tpu.memory_space<vmem>>, vector<16xi32>,
      %gather3A_194 = tpu.vector_load_idx %arg5[%get3A_193] : memref<16xf32, #tpu.memory_space<vmem>>[vector<16xi32>], vector<16xf32>,
      %swap3A_195 = arith.constant 352 : index
      %swap3A_196 = tpu.vector_load %arg11[%swap3A_195] {strides = array<i32>} : memref<800xf32, #tpu.memory_space<vmem>>, vector<16xf32>,
      tpu.vector_store %arg11[%swap3A_195], %gather3A_194 {strides = array<i32>} : memref<800xf32, #tpu.memory_space<vmem>>, vector<16xf32>,
      %get3A_197 = arith.constant 368 : index
      %get3A_198 = tpu.vector_load %arg7[%get3A_197] {strides = array<i32>} : memref<800xi32, #tpu.memory_space<vmem>>, vector<16xi32>,
      %gather3A_199 = tpu.vector_load_idx %arg5[%get3A_198] : memref<16xf32, #tpu.memory_space<vmem>>[vector<16xi32>], vector<16xf32>,
      %swap3A_200 = arith.constant 368 : index
      %swap3A_201 = tpu.vector_load %arg11[%swap3A_200] {strides = array<i32>} : memref<800xf32, #tpu.memory_space<vmem>>, vector<16xf32>,
      tpu.vector_store %arg11[%swap3A_200], %gather3A_199 {strides = array<i32>} : memref<800xf32, #tpu.memory_space<vmem>>, vector<16xf32>,
      %get3A_202 = arith.constant 384 : index
      %get3A_203 = tpu.vector_load %arg7[%get3A_202] {strides = array<i32>} : memref<800xi32, #tpu.memory_space<vmem>>, vector<16xi32>,
      %gather3A_204 = tpu.vector_load_idx %arg5[%get3A_203] : memref<16xf32, #tpu.memory_space<vmem>>[vector<16xi32>], vector<16xf32>,
      %swap3A_205 = arith.constant 384 : index
      %swap3A_206 = tpu.vector_load %arg11[%swap3A_205] {strides = array<i32>} : memref<800xf32, #tpu.memory_space<vmem>>, vector<16xf32>,
      tpu.vector_store %arg11[%swap3A_205], %gather3A_204 {strides = array<i32>} : memref<800xf32, #tpu.memory_space<vmem>>, vector<16xf32>,
      %get3A_207 = arith.constant 400 : index
      %get3A_208 = tpu.vector_load %arg7[%get3A_207] {strides = array<i32>} : memref<800xi32, #tpu.memory_space<vmem>>, vector<16xi32>,
      %gather3A_209 = tpu.vector_load_idx %arg5[%get3A_208] : memref<16xf32, #tpu.memory_space<vmem>>[vector<16xi32>], vector<16xf32>,
      %swap3A_210 = arith.constant 400 : index
      %swap3A_211 = tpu.vector_load %arg11[%swap3A_210] {strides = array<i32>} : memref<800xf32, #tpu.memory_space<vmem>>, vector<16xf32>,
      tpu.vector_store %arg11[%swap3A_210], %gather3A_209 {strides = array<i32>} : memref<800xf32, #tpu.memory_space<vmem>>, vector<16xf32>,
      %get3A_212 = arith.constant 416 : index
      %get3A_213 = tpu.vector_load %arg7[%get3A_212] {strides = array<i32>} : memref<800xi32, #tpu.memory_space<vmem>>, vector<16xi32>,
      %gather3A_214 = tpu.vector_load_idx %arg5[%get3A_213] : memref<16xf32, #tpu.memory_space<vmem>>[vector<16xi32>], vector<16xf32>,
      %swap3A_215 = arith.constant 416 : index
      %swap3A_216 = tpu.vector_load %arg11[%swap3A_215] {strides = array<i32>} : memref<800xf32, #tpu.memory_space<vmem>>, vector<16xf32>,
      tpu.vector_store %arg11[%swap3A_215], %gather3A_214 {strides = array<i32>} : memref<800xf32, #tpu.memory_space<vmem>>, vector<16xf32>,
      %get3A_217 = arith.constant 432 : index
      %get3A_218 = tpu.vector_load %arg7[%get3A_217] {strides = array<i32>} : memref<800xi32, #tpu.memory_space<vmem>>, vector<16xi32>,
      %gather3A_219 = tpu.vector_load_idx %arg5[%get3A_218] : memref<16xf32, #tpu.memory_space<vmem>>[vector<16xi32>], vector<16xf32>,
      %swap3A_220 = arith.constant 432 : index
      %swap3A_221 = tpu.vector_load %arg11[%swap3A_220] {strides = array<i32>} : memref<800xf32, #tpu.memory_space<vmem>>, vector<16xf32>,
      tpu.vector_store %arg11[%swap3A_220], %gather3A_219 {strides = array<i32>} : memref<800xf32, #tpu.memory_space<vmem>>, vector<16xf32>,
      %get3A_222 = arith.constant 448 : index
      %get3A_223 = tpu.vector_load %arg7[%get3A_222] {strides = array<i32>} : memref<800xi32, #tpu.memory_space<vmem>>, vector<16xi32>,
      %gather3A_224 = tpu.vector_load_idx %arg5[%get3A_223] : memref<16xf32, #tpu.memory_space<vmem>>[vector<16xi32>], vector<16xf32>,
      %swap3A_225 = arith.constant 448 : index
      %swap3A_226 = tpu.vector_load %arg11[%swap3A_225] {strides = array<i32>} : memref<800xf32, #tpu.memory_space<vmem>>, vector<16xf32>,
      tpu.vector_store %arg11[%swap3A_225], %gather3A_224 {strides = array<i32>} : memref<800xf32, #tpu.memory_space<vmem>>, vector<16xf32>,
      %get3A_227 = arith.constant 464 : index
      %get3A_228 = tpu.vector_load %arg7[%get3A_227] {strides = array<i32>} : memref<800xi32, #tpu.memory_space<vmem>>, vector<16xi32>,
      %gather3A_229 = tpu.vector_load_idx %arg5[%get3A_228] : memref<16xf32, #tpu.memory_space<vmem>>[vector<16xi32>], vector<16xf32>,
      %swap3A_230 = arith.constant 464 : index
      %swap3A_231 = tpu.vector_load %arg11[%swap3A_230] {strides = array<i32>} : memref<800xf32, #tpu.memory_space<vmem>>, vector<16xf32>,
      tpu.vector_store %arg11[%swap3A_230], %gather3A_229 {strides = array<i32>} : memref<800xf32, #tpu.memory_space<vmem>>, vector<16xf32>,
      %get3A_232 = arith.constant 480 : index
      %get3A_233 = tpu.vector_load %arg7[%get3A_232] {strides = array<i32>} : memref<800xi32, #tpu.memory_space<vmem>>, vector<16xi32>,
      %gather3A_234 = tpu.vector_load_idx %arg5[%get3A_233] : memref<16xf32, #tpu.memory_space<vmem>>[vector<16xi32>], vector<16xf32>,
      %swap3A_235 = arith.constant 480 : index
      %swap3A_236 = tpu.vector_load %arg11[%swap3A_235] {strides = array<i32>} : memref<800xf32, #tpu.memory_space<vmem>>, vector<16xf32>,
      tpu.vector_store %arg11[%swap3A_235], %gather3A_234 {strides = array<i32>} : memref<800xf32, #tpu.memory_space<vmem>>, vector<16xf32>,
      %get3A_237 = arith.constant 496 : index
      %get3A_238 = tpu.vector_load %arg7[%get3A_237] {strides = array<i32>} : memref<800xi32, #tpu.memory_space<vmem>>, vector<16xi32>,
      %gather3A_239 = tpu.vector_load_idx %arg5[%get3A_238] : memref<16xf32, #tpu.memory_space<vmem>>[vector<16xi32>], vector<16xf32>,
      %swap3A_240 = arith.constant 496 : index
      %swap3A_241 = tpu.vector_load %arg11[%swap3A_240] {strides = array<i32>} : memref<800xf32, #tpu.memory_space<vmem>>, vector<16xf32>,
      tpu.vector_store %arg11[%swap3A_240], %gather3A_239 {strides = array<i32>} : memref<800xf32, #tpu.memory_space<vmem>>, vector<16xf32>,
      %get3A_242 = arith.constant 512 : index
      %get3A_243 = tpu.vector_load %arg7[%get3A_242] {strides = array<i32>} : memref<800xi32, #tpu.memory_space<vmem>>, vector<16xi32>,
      %gather3A_244 = tpu.vector_load_idx %arg5[%get3A_243] : memref<16xf32, #tpu.memory_space<vmem>>[vector<16xi32>], vector<16xf32>,
      %swap3A_245 = arith.constant 512 : index
      %swap3A_246 = tpu.vector_load %arg11[%swap3A_245] {strides = array<i32>} : memref<800xf32, #tpu.memory_space<vmem>>, vector<16xf32>,
      tpu.vector_store %arg11[%swap3A_245], %gather3A_244 {strides = array<i32>} : memref<800xf32, #tpu.memory_space<vmem>>, vector<16xf32>,
      %get3A_247 = arith.constant 528 : index
      %get3A_248 = tpu.vector_load %arg7[%get3A_247] {strides = array<i32>} : memref<800xi32, #tpu.memory_space<vmem>>, vector<16xi32>,
      %gather3A_249 = tpu.vector_load_idx %arg5[%get3A_248] : memref<16xf32, #tpu.memory_space<vmem>>[vector<16xi32>], vector<16xf32>,
      %swap3A_250 = arith.constant 528 : index
      %swap3A_251 = tpu.vector_load %arg11[%swap3A_250] {strides = array<i32>} : memref<800xf32, #tpu.memory_space<vmem>>, vector<16xf32>,
      tpu.vector_store %arg11[%swap3A_250], %gather3A_249 {strides = array<i32>} : memref<800xf32, #tpu.memory_space<vmem>>, vector<16xf32>,
      %get3A_252 = arith.constant 544 : index
      %get3A_253 = tpu.vector_load %arg7[%get3A_252] {strides = array<i32>} : memref<800xi32, #tpu.memory_space<vmem>>, vector<16xi32>,
      %gather3A_254 = tpu.vector_load_idx %arg5[%get3A_253] : memref<16xf32, #tpu.memory_space<vmem>>[vector<16xi32>], vector<16xf32>,
      %swap3A_255 = arith.constant 544 : index
      %swap3A_256 = tpu.vector_load %arg11[%swap3A_255] {strides = array<i32>} : memref<800xf32, #tpu.memory_space<vmem>>, vector<16xf32>,
      tpu.vector_store %arg11[%swap3A_255], %gather3A_254 {strides = array<i32>} : memref<800xf32, #tpu.memory_space<vmem>>, vector<16xf32>,
      %get3A_257 = arith.constant 560 : index
      %get3A_258 = tpu.vector_load %arg7[%get3A_257] {strides = array<i32>} : memref<800xi32, #tpu.memory_space<vmem>>, vector<16xi32>,
      %gather3A_259 = tpu.vector_load_idx %arg5[%get3A_258] : memref<16xf32, #tpu.memory_space<vmem>>[vector<16xi32>], vector<16xf32>,
      %swap3A_260 = arith.constant 560 : index
      %swap3A_261 = tpu.vector_load %arg11[%swap3A_260] {strides = array<i32>} : memref<800xf32, #tpu.memory_space<vmem>>, vector<16xf32>,
      tpu.vector_store %arg11[%swap3A_260], %gather3A_259 {strides = array<i32>} : memref<800xf32, #tpu.memory_space<vmem>>, vector<16xf32>,
      %get3A_262 = arith.constant 576 : index
      %get3A_263 = tpu.vector_load %arg7[%get3A_262] {strides = array<i32>} : memref<800xi32, #tpu.memory_space<vmem>>, vector<16xi32>,
      %gather3A_264 = tpu.vector_load_idx %arg5[%get3A_263] : memref<16xf32, #tpu.memory_space<vmem>>[vector<16xi32>], vector<16xf32>,
      %swap3A_265 = arith.constant 576 : index
      %swap3A_266 = tpu.vector_load %arg11[%swap3A_265] {strides = array<i32>} : memref<800xf32, #tpu.memory_space<vmem>>, vector<16xf32>,
      tpu.vector_store %arg11[%swap3A_265], %gather3A_264 {strides = array<i32>} : memref<800xf32, #tpu.memory_space<vmem>>, vector<16xf32>,
      %get3A_267 = arith.constant 592 : index
      %get3A_268 = tpu.vector_load %arg7[%get3A_267] {strides = array<i32>} : memref<800xi32, #tpu.memory_space<vmem>>, vector<16xi32>,
      %gather3A_269 = tpu.vector_load_idx %arg5[%get3A_268] : memref<16xf32, #tpu.memory_space<vmem>>[vector<16xi32>], vector<16xf32>,
      %swap3A_270 = arith.constant 592 : index
      %swap3A_271 = tpu.vector_load %arg11[%swap3A_270] {strides = array<i32>} : memref<800xf32, #tpu.memory_space<vmem>>, vector<16xf32>,
      tpu.vector_store %arg11[%swap3A_270], %gather3A_269 {strides = array<i32>} : memref<800xf32, #tpu.memory_space<vmem>>, vector<16xf32>,
      %get3A_272 = arith.constant 608 : index
      %get3A_273 = tpu.vector_load %arg7[%get3A_272] {strides = array<i32>} : memref<800xi32, #tpu.memory_space<vmem>>, vector<16xi32>,
      %gather3A_274 = tpu.vector_load_idx %arg5[%get3A_273] : memref<16xf32, #tpu.memory_space<vmem>>[vector<16xi32>], vector<16xf32>,
      %swap3A_275 = arith.constant 608 : index
      %swap3A_276 = tpu.vector_load %arg11[%swap3A_275] {strides = array<i32>} : memref<800xf32, #tpu.memory_space<vmem>>, vector<16xf32>,
      tpu.vector_store %arg11[%swap3A_275], %gather3A_274 {strides = array<i32>} : memref<800xf32, #tpu.memory_space<vmem>>, vector<16xf32>,
      %get3A_277 = arith.constant 624 : index
      %get3A_278 = tpu.vector_load %arg7[%get3A_277] {strides = array<i32>} : memref<800xi32, #tpu.memory_space<vmem>>, vector<16xi32>,
      %gather3A_279 = tpu.vector_load_idx %arg5[%get3A_278] : memref<16xf32, #tpu.memory_space<vmem>>[vector<16xi32>], vector<16xf32>,
      %swap3A_280 = arith.constant 624 : index
      %swap3A_281 = tpu.vector_load %arg11[%swap3A_280] {strides = array<i32>} : memref<800xf32, #tpu.memory_space<vmem>>, vector<16xf32>,
      tpu.vector_store %arg11[%swap3A_280], %gather3A_279 {strides = array<i32>} : memref<800xf32, #tpu.memory_space<vmem>>, vector<16xf32>,
      %get3A_282 = arith.constant 640 : index
      %get3A_283 = tpu.vector_load %arg7[%get3A_282] {strides = array<i32>} : memref<800xi32, #tpu.memory_space<vmem>>, vector<16xi32>,
      %gather3A_284 = tpu.vector_load_idx %arg5[%get3A_283] : memref<16xf32, #tpu.memory_space<vmem>>[vector<16xi32>], vector<16xf32>,
      %swap3A_285 = arith.constant 640 : index
      %swap3A_286 = tpu.vector_load %arg11[%swap3A_285] {strides = array<i32>} : memref<800xf32, #tpu.memory_space<vmem>>, vector<16xf32>,
      tpu.vector_store %arg11[%swap3A_285], %gather3A_284 {strides = array<i32>} : memref<800xf32, #tpu.memory_space<vmem>>, vector<16xf32>,
      %get3A_287 = arith.constant 656 : index
      %get3A_288 = tpu.vector_load %arg7[%get3A_287] {strides = array<i32>} : memref<800xi32, #tpu.memory_space<vmem>>, vector<16xi32>,
      %gather3A_289 = tpu.vector_load_idx %arg5[%get3A_288] : memref<16xf32, #tpu.memory_space<vmem>>[vector<16xi32>], vector<16xf32>,
      %swap3A_290 = arith.constant 656 : index
      %swap3A_291 = tpu.vector_load %arg11[%swap3A_290] {strides = array<i32>} : memref<800xf32, #tpu.memory_space<vmem>>, vector<16xf32>,
      tpu.vector_store %arg11[%swap3A_290], %gather3A_289 {strides = array<i32>} : memref<800xf32, #tpu.memory_space<vmem>>, vector<16xf32>,
      %get3A_292 = arith.constant 672 : index
      %get3A_293 = tpu.vector_load %arg7[%get3A_292] {strides = array<i32>} : memref<800xi32, #tpu.memory_space<vmem>>, vector<16xi32>,
      %gather3A_294 = tpu.vector_load_idx %arg5[%get3A_293] : memref<16xf32, #tpu.memory_space<vmem>>[vector<16xi32>], vector<16xf32>,
      %swap3A_295 = arith.constant 672 : index
      %swap3A_296 = tpu.vector_load %arg11[%swap3A_295] {strides = array<i32>} : memref<800xf32, #tpu.memory_space<vmem>>, vector<16xf32>,
      tpu.vector_store %arg11[%swap3A_295], %gather3A_294 {strides = array<i32>} : memref<800xf32, #tpu.memory_space<vmem>>, vector<16xf32>,
      %get3A_297 = arith.constant 688 : index
      %get3A_298 = tpu.vector_load %arg7[%get3A_297] {strides = array<i32>} : memref<800xi32, #tpu.memory_space<vmem>>, vector<16xi32>,
      %gather3A_299 = tpu.vector_load_idx %arg5[%get3A_298] : memref<16xf32, #tpu.memory_space<vmem>>[vector<16xi32>], vector<16xf32>,
      %swap3A_300 = arith.constant 688 : index
      %swap3A_301 = tpu.vector_load %arg11[%swap3A_300] {strides = array<i32>} : memref<800xf32, #tpu.memory_space<vmem>>, vector<16xf32>,
      tpu.vector_store %arg11[%swap3A_300], %gather3A_299 {strides = array<i32>} : memref<800xf32, #tpu.memory_space<vmem>>, vector<16xf32>,
      %get3A_302 = arith.constant 704 : index
      %get3A_303 = tpu.vector_load %arg7[%get3A_302] {strides = array<i32>} : memref<800xi32, #tpu.memory_space<vmem>>, vector<16xi32>,
      %gather3A_304 = tpu.vector_load_idx %arg5[%get3A_303] : memref<16xf32, #tpu.memory_space<vmem>>[vector<16xi32>], vector<16xf32>,
      %swap3A_305 = arith.constant 704 : index
      %swap3A_306 = tpu.vector_load %arg11[%swap3A_305] {strides = array<i32>} : memref<800xf32, #tpu.memory_space<vmem>>, vector<16xf32>,
      tpu.vector_store %arg11[%swap3A_305], %gather3A_304 {strides = array<i32>} : memref<800xf32, #tpu.memory_space<vmem>>, vector<16xf32>,
      %get3A_307 = arith.constant 720 : index
      %get3A_308 = tpu.vector_load %arg7[%get3A_307] {strides = array<i32>} : memref<800xi32, #tpu.memory_space<vmem>>, vector<16xi32>,
      %gather3A_309 = tpu.vector_load_idx %arg5[%get3A_308] : memref<16xf32, #tpu.memory_space<vmem>>[vector<16xi32>], vector<16xf32>,
      %swap3A_310 = arith.constant 720 : index
      %swap3A_311 = tpu.vector_load %arg11[%swap3A_310] {strides = array<i32>} : memref<800xf32, #tpu.memory_space<vmem>>, vector<16xf32>,
      tpu.vector_store %arg11[%swap3A_310], %gather3A_309 {strides = array<i32>} : memref<800xf32, #tpu.memory_space<vmem>>, vector<16xf32>,
      %get3A_312 = arith.constant 736 : index
      %get3A_313 = tpu.vector_load %arg7[%get3A_312] {strides = array<i32>} : memref<800xi32, #tpu.memory_space<vmem>>, vector<16xi32>,
      %gather3A_314 = tpu.vector_load_idx %arg5[%get3A_313] : memref<16xf32, #tpu.memory_space<vmem>>[vector<16xi32>], vector<16xf32>,
      %swap3A_315 = arith.constant 736 : index
      %swap3A_316 = tpu.vector_load %arg11[%swap3A_315] {strides = array<i32>} : memref<800xf32, #tpu.memory_space<vmem>>, vector<16xf32>,
      tpu.vector_store %arg11[%swap3A_315], %gather3A_314 {strides = array<i32>} : memref<800xf32, #tpu.memory_space<vmem>>, vector<16xf32>,
      %get3A_317 = arith.constant 752 : index
      %get3A_318 = tpu.vector_load %arg7[%get3A_317] {strides = array<i32>} : memref<800xi32, #tpu.memory_space<vmem>>, vector<16xi32>,
      %gather3A_319 = tpu.vector_load_idx %arg5[%get3A_318] : memref<16xf32, #tpu.memory_space<vmem>>[vector<16xi32>], vector<16xf32>,
      %swap3A_320 = arith.constant 752 : index
      %swap3A_321 = tpu.vector_load %arg11[%swap3A_320] {strides = array<i32>} : memref<800xf32, #tpu.memory_space<vmem>>, vector<16xf32>,
      tpu.vector_store %arg11[%swap3A_320], %gather3A_319 {strides = array<i32>} : memref<800xf32, #tpu.memory_space<vmem>>, vector<16xf32>,
      %get3A_322 = arith.constant 768 : index
      %get3A_323 = tpu.vector_load %arg7[%get3A_322] {strides = array<i32>} : memref<800xi32, #tpu.memory_space<vmem>>, vector<16xi32>,
      %gather3A_324 = tpu.vector_load_idx %arg5[%get3A_323] : memref<16xf32, #tpu.memory_space<vmem>>[vector<16xi32>], vector<16xf32>,
      %swap3A_325 = arith.constant 768 : index
      %swap3A_326 = tpu.vector_load %arg11[%swap3A_325] {strides = array<i32>} : memref<800xf32, #tpu.memory_space<vmem>>, vector<16xf32>,
      tpu.vector_store %arg11[%swap3A_325], %gather3A_324 {strides = array<i32>} : memref<800xf32, #tpu.memory_space<vmem>>, vector<16xf32>,
      %get3A_327 = arith.constant 784 : index
      %get3A_328 = tpu.vector_load %arg7[%get3A_327] {strides = array<i32>} : memref<800xi32, #tpu.memory_space<vmem>>, vector<16xi32>,
      %gather3A_329 = tpu.vector_load_idx %arg5[%get3A_328] : memref<16xf32, #tpu.memory_space<vmem>>[vector<16xi32>], vector<16xf32>,
      %swap3A_330 = arith.constant 784 : index
      %swap3A_331 = tpu.vector_load %arg11[%swap3A_330] {strides = array<i32>} : memref<800xf32, #tpu.memory_space<vmem>>, vector<16xf32>,
      tpu.vector_store %arg11[%swap3A_330], %gather3A_329 {strides = array<i32>} : memref<800xf32, #tpu.memory_space<vmem>>, vector<16xf32>,
      %mul3A_332 = arith.constant 800 : i32
      %mul3A_333 = arith.muli %add3A_34, %mul3A_332 : i32
      %dma_start3A = tpu.memref_slice %arg4[%mul3A_333] : memref<100000xf32, #tpu.memory_space<hbm>> -> memref<800xf32, #tpu.memory_space<hbm>>
      %dma_start3A_334 = tpu.memref_slice %arg4[%mul3A_333] : memref<100000xf32, #tpu.memory_space<hbm>> -> memref<800xf32, #tpu.memory_space<hbm>>
      tpu.enqueue_dma source(%arg11 : memref<800xf32, #tpu.memory_space<vmem>>) target(%dma_start3A_334 : memref<800xf32, #tpu.memory_space<hbm>>) target_semaphore(%arg19 : memref<!tpu.dma_semaphore, #tpu.memory_space<semaphore_mem>>)
    } else {
    }
    %add3A_40 = arith.constant 64 : i32
    %add3A_41 = arith.addi %add3A, %add3A_40 : i32
    %lt3A_42 = arith.constant 125 : i32
    %lt3A_43 = arith.cmpi slt, %add3A_41, %lt3A_42 : i32
    %convert_element_type3A_44 = arith.extui %lt3A_43 : i1 to i32
    %cond3A_45 = arith.constant 0 : i32
    %cond3A_46 = arith.cmpi ne, %convert_element_type3A_44, %cond3A_45 : i32
    scf.if %cond3A_46 {
      %mul3A_82 = arith.constant 800 : i32
      %mul3A_83 = arith.muli %add3A_41, %mul3A_82 : i32
      %dma_wait3A = tpu.memref_slice %arg2[%mul3A_83] : memref<100000xi32, #tpu.memory_space<hbm>> -> memref<800xi32, #tpu.memory_space<hbm>>
      %dma_wait3A_84 = tpu.memref_slice %arg2[%mul3A_83] : memref<100000xi32, #tpu.memory_space<hbm>> -> memref<800xi32, #tpu.memory_space<hbm>>
      tpu.wait_dma2 semaphore(%arg16 : memref<!tpu.dma_semaphore, #tpu.memory_space<semaphore_mem>>) src(%dma_wait3A_84 : memref<800xi32, #tpu.memory_space<hbm>>) dst(%arg8 : memref<800xi32, #tpu.memory_space<vmem>>)
      %get3A = arith.constant 0 : index
      %get3A_85 = tpu.vector_load %arg8[%get3A] {strides = array<i32>} : memref<800xi32, #tpu.memory_space<vmem>>, vector<16xi32>,
      %gather3A = tpu.vector_load_idx %arg5[%get3A_85] : memref<16xf32, #tpu.memory_space<vmem>>[vector<16xi32>], vector<16xf32>,
      %swap3A = arith.constant 0 : index
      %swap3A_86 = tpu.vector_load %arg12[%swap3A] {strides = array<i32>} : memref<800xf32, #tpu.memory_space<vmem>>, vector<16xf32>,
      tpu.vector_store %arg12[%swap3A], %gather3A {strides = array<i32>} : memref<800xf32, #tpu.memory_space<vmem>>, vector<16xf32>,
      %get3A_87 = arith.constant 16 : index
      %get3A_88 = tpu.vector_load %arg8[%get3A_87] {strides = array<i32>} : memref<800xi32, #tpu.memory_space<vmem>>, vector<16xi32>,
      %gather3A_89 = tpu.vector_load_idx %arg5[%get3A_88] : memref<16xf32, #tpu.memory_space<vmem>>[vector<16xi32>], vector<16xf32>,
      %swap3A_90 = arith.constant 16 : index
      %swap3A_91 = tpu.vector_load %arg12[%swap3A_90] {strides = array<i32>} : memref<800xf32, #tpu.memory_space<vmem>>, vector<16xf32>,
      tpu.vector_store %arg12[%swap3A_90], %gather3A_89 {strides = array<i32>} : memref<800xf32, #tpu.memory_space<vmem>>, vector<16xf32>,
      %get3A_92 = arith.constant 32 : index
      %get3A_93 = tpu.vector_load %arg8[%get3A_92] {strides = array<i32>} : memref<800xi32, #tpu.memory_space<vmem>>, vector<16xi32>,
      %gather3A_94 = tpu.vector_load_idx %arg5[%get3A_93] : memref<16xf32, #tpu.memory_space<vmem>>[vector<16xi32>], vector<16xf32>,
      %swap3A_95 = arith.constant 32 : index
      %swap3A_96 = tpu.vector_load %arg12[%swap3A_95] {strides = array<i32>} : memref<800xf32, #tpu.memory_space<vmem>>, vector<16xf32>,
      tpu.vector_store %arg12[%swap3A_95], %gather3A_94 {strides = array<i32>} : memref<800xf32, #tpu.memory_space<vmem>>, vector<16xf32>,
      %get3A_97 = arith.constant 48 : index
      %get3A_98 = tpu.vector_load %arg8[%get3A_97] {strides = array<i32>} : memref<800xi32, #tpu.memory_space<vmem>>, vector<16xi32>,
      %gather3A_99 = tpu.vector_load_idx %arg5[%get3A_98] : memref<16xf32, #tpu.memory_space<vmem>>[vector<16xi32>], vector<16xf32>,
      %swap3A_100 = arith.constant 48 : index
      %swap3A_101 = tpu.vector_load %arg12[%swap3A_100] {strides = array<i32>} : memref<800xf32, #tpu.memory_space<vmem>>, vector<16xf32>,
      tpu.vector_store %arg12[%swap3A_100], %gather3A_99 {strides = array<i32>} : memref<800xf32, #tpu.memory_space<vmem>>, vector<16xf32>,
      %get3A_102 = arith.constant 64 : index
      %get3A_103 = tpu.vector_load %arg8[%get3A_102] {strides = array<i32>} : memref<800xi32, #tpu.memory_space<vmem>>, vector<16xi32>,
      %gather3A_104 = tpu.vector_load_idx %arg5[%get3A_103] : memref<16xf32, #tpu.memory_space<vmem>>[vector<16xi32>], vector<16xf32>,
      %swap3A_105 = arith.constant 64 : index
      %swap3A_106 = tpu.vector_load %arg12[%swap3A_105] {strides = array<i32>} : memref<800xf32, #tpu.memory_space<vmem>>, vector<16xf32>,
      tpu.vector_store %arg12[%swap3A_105], %gather3A_104 {strides = array<i32>} : memref<800xf32, #tpu.memory_space<vmem>>, vector<16xf32>,
      %get3A_107 = arith.constant 80 : index
      %get3A_108 = tpu.vector_load %arg8[%get3A_107] {strides = array<i32>} : memref<800xi32, #tpu.memory_space<vmem>>, vector<16xi32>,
      %gather3A_109 = tpu.vector_load_idx %arg5[%get3A_108] : memref<16xf32, #tpu.memory_space<vmem>>[vector<16xi32>], vector<16xf32>,
      %swap3A_110 = arith.constant 80 : index
      %swap3A_111 = tpu.vector_load %arg12[%swap3A_110] {strides = array<i32>} : memref<800xf32, #tpu.memory_space<vmem>>, vector<16xf32>,
      tpu.vector_store %arg12[%swap3A_110], %gather3A_109 {strides = array<i32>} : memref<800xf32, #tpu.memory_space<vmem>>, vector<16xf32>,
      %get3A_112 = arith.constant 96 : index
      %get3A_113 = tpu.vector_load %arg8[%get3A_112] {strides = array<i32>} : memref<800xi32, #tpu.memory_space<vmem>>, vector<16xi32>,
      %gather3A_114 = tpu.vector_load_idx %arg5[%get3A_113] : memref<16xf32, #tpu.memory_space<vmem>>[vector<16xi32>], vector<16xf32>,
      %swap3A_115 = arith.constant 96 : index
      %swap3A_116 = tpu.vector_load %arg12[%swap3A_115] {strides = array<i32>} : memref<800xf32, #tpu.memory_space<vmem>>, vector<16xf32>,
      tpu.vector_store %arg12[%swap3A_115], %gather3A_114 {strides = array<i32>} : memref<800xf32, #tpu.memory_space<vmem>>, vector<16xf32>,
      %get3A_117 = arith.constant 112 : index
      %get3A_118 = tpu.vector_load %arg8[%get3A_117] {strides = array<i32>} : memref<800xi32, #tpu.memory_space<vmem>>, vector<16xi32>,
      %gather3A_119 = tpu.vector_load_idx %arg5[%get3A_118] : memref<16xf32, #tpu.memory_space<vmem>>[vector<16xi32>], vector<16xf32>,
      %swap3A_120 = arith.constant 112 : index
      %swap3A_121 = tpu.vector_load %arg12[%swap3A_120] {strides = array<i32>} : memref<800xf32, #tpu.memory_space<vmem>>, vector<16xf32>,
      tpu.vector_store %arg12[%swap3A_120], %gather3A_119 {strides = array<i32>} : memref<800xf32, #tpu.memory_space<vmem>>, vector<16xf32>,
      %get3A_122 = arith.constant 128 : index
      %get3A_123 = tpu.vector_load %arg8[%get3A_122] {strides = array<i32>} : memref<800xi32, #tpu.memory_space<vmem>>, vector<16xi32>,
      %gather3A_124 = tpu.vector_load_idx %arg5[%get3A_123] : memref<16xf32, #tpu.memory_space<vmem>>[vector<16xi32>], vector<16xf32>,
      %swap3A_125 = arith.constant 128 : index
      %swap3A_126 = tpu.vector_load %arg12[%swap3A_125] {strides = array<i32>} : memref<800xf32, #tpu.memory_space<vmem>>, vector<16xf32>,
      tpu.vector_store %arg12[%swap3A_125], %gather3A_124 {strides = array<i32>} : memref<800xf32, #tpu.memory_space<vmem>>, vector<16xf32>,
      %get3A_127 = arith.constant 144 : index
      %get3A_128 = tpu.vector_load %arg8[%get3A_127] {strides = array<i32>} : memref<800xi32, #tpu.memory_space<vmem>>, vector<16xi32>,
      %gather3A_129 = tpu.vector_load_idx %arg5[%get3A_128] : memref<16xf32, #tpu.memory_space<vmem>>[vector<16xi32>], vector<16xf32>,
      %swap3A_130 = arith.constant 144 : index
      %swap3A_131 = tpu.vector_load %arg12[%swap3A_130] {strides = array<i32>} : memref<800xf32, #tpu.memory_space<vmem>>, vector<16xf32>,
      tpu.vector_store %arg12[%swap3A_130], %gather3A_129 {strides = array<i32>} : memref<800xf32, #tpu.memory_space<vmem>>, vector<16xf32>,
      %get3A_132 = arith.constant 160 : index
      %get3A_133 = tpu.vector_load %arg8[%get3A_132] {strides = array<i32>} : memref<800xi32, #tpu.memory_space<vmem>>, vector<16xi32>,
      %gather3A_134 = tpu.vector_load_idx %arg5[%get3A_133] : memref<16xf32, #tpu.memory_space<vmem>>[vector<16xi32>], vector<16xf32>,
      %swap3A_135 = arith.constant 160 : index
      %swap3A_136 = tpu.vector_load %arg12[%swap3A_135] {strides = array<i32>} : memref<800xf32, #tpu.memory_space<vmem>>, vector<16xf32>,
      tpu.vector_store %arg12[%swap3A_135], %gather3A_134 {strides = array<i32>} : memref<800xf32, #tpu.memory_space<vmem>>, vector<16xf32>,
      %get3A_137 = arith.constant 176 : index
      %get3A_138 = tpu.vector_load %arg8[%get3A_137] {strides = array<i32>} : memref<800xi32, #tpu.memory_space<vmem>>, vector<16xi32>,
      %gather3A_139 = tpu.vector_load_idx %arg5[%get3A_138] : memref<16xf32, #tpu.memory_space<vmem>>[vector<16xi32>], vector<16xf32>,
      %swap3A_140 = arith.constant 176 : index
      %swap3A_141 = tpu.vector_load %arg12[%swap3A_140] {strides = array<i32>} : memref<800xf32, #tpu.memory_space<vmem>>, vector<16xf32>,
      tpu.vector_store %arg12[%swap3A_140], %gather3A_139 {strides = array<i32>} : memref<800xf32, #tpu.memory_space<vmem>>, vector<16xf32>,
      %get3A_142 = arith.constant 192 : index
      %get3A_143 = tpu.vector_load %arg8[%get3A_142] {strides = array<i32>} : memref<800xi32, #tpu.memory_space<vmem>>, vector<16xi32>,
      %gather3A_144 = tpu.vector_load_idx %arg5[%get3A_143] : memref<16xf32, #tpu.memory_space<vmem>>[vector<16xi32>], vector<16xf32>,
      %swap3A_145 = arith.constant 192 : index
      %swap3A_146 = tpu.vector_load %arg12[%swap3A_145] {strides = array<i32>} : memref<800xf32, #tpu.memory_space<vmem>>, vector<16xf32>,
      tpu.vector_store %arg12[%swap3A_145], %gather3A_144 {strides = array<i32>} : memref<800xf32, #tpu.memory_space<vmem>>, vector<16xf32>,
      %get3A_147 = arith.constant 208 : index
      %get3A_148 = tpu.vector_load %arg8[%get3A_147] {strides = array<i32>} : memref<800xi32, #tpu.memory_space<vmem>>, vector<16xi32>,
      %gather3A_149 = tpu.vector_load_idx %arg5[%get3A_148] : memref<16xf32, #tpu.memory_space<vmem>>[vector<16xi32>], vector<16xf32>,
      %swap3A_150 = arith.constant 208 : index
      %swap3A_151 = tpu.vector_load %arg12[%swap3A_150] {strides = array<i32>} : memref<800xf32, #tpu.memory_space<vmem>>, vector<16xf32>,
      tpu.vector_store %arg12[%swap3A_150], %gather3A_149 {strides = array<i32>} : memref<800xf32, #tpu.memory_space<vmem>>, vector<16xf32>,
      %get3A_152 = arith.constant 224 : index
      %get3A_153 = tpu.vector_load %arg8[%get3A_152] {strides = array<i32>} : memref<800xi32, #tpu.memory_space<vmem>>, vector<16xi32>,
      %gather3A_154 = tpu.vector_load_idx %arg5[%get3A_153] : memref<16xf32, #tpu.memory_space<vmem>>[vector<16xi32>], vector<16xf32>,
      %swap3A_155 = arith.constant 224 : index
      %swap3A_156 = tpu.vector_load %arg12[%swap3A_155] {strides = array<i32>} : memref<800xf32, #tpu.memory_space<vmem>>, vector<16xf32>,
      tpu.vector_store %arg12[%swap3A_155], %gather3A_154 {strides = array<i32>} : memref<800xf32, #tpu.memory_space<vmem>>, vector<16xf32>,
      %get3A_157 = arith.constant 240 : index
      %get3A_158 = tpu.vector_load %arg8[%get3A_157] {strides = array<i32>} : memref<800xi32, #tpu.memory_space<vmem>>, vector<16xi32>,
      %gather3A_159 = tpu.vector_load_idx %arg5[%get3A_158] : memref<16xf32, #tpu.memory_space<vmem>>[vector<16xi32>], vector<16xf32>,
      %swap3A_160 = arith.constant 240 : index
      %swap3A_161 = tpu.vector_load %arg12[%swap3A_160] {strides = array<i32>} : memref<800xf32, #tpu.memory_space<vmem>>, vector<16xf32>,
      tpu.vector_store %arg12[%swap3A_160], %gather3A_159 {strides = array<i32>} : memref<800xf32, #tpu.memory_space<vmem>>, vector<16xf32>,
      %get3A_162 = arith.constant 256 : index
      %get3A_163 = tpu.vector_load %arg8[%get3A_162] {strides = array<i32>} : memref<800xi32, #tpu.memory_space<vmem>>, vector<16xi32>,
      %gather3A_164 = tpu.vector_load_idx %arg5[%get3A_163] : memref<16xf32, #tpu.memory_space<vmem>>[vector<16xi32>], vector<16xf32>,
      %swap3A_165 = arith.constant 256 : index
      %swap3A_166 = tpu.vector_load %arg12[%swap3A_165] {strides = array<i32>} : memref<800xf32, #tpu.memory_space<vmem>>, vector<16xf32>,
      tpu.vector_store %arg12[%swap3A_165], %gather3A_164 {strides = array<i32>} : memref<800xf32, #tpu.memory_space<vmem>>, vector<16xf32>,
      %get3A_167 = arith.constant 272 : index
      %get3A_168 = tpu.vector_load %arg8[%get3A_167] {strides = array<i32>} : memref<800xi32, #tpu.memory_space<vmem>>, vector<16xi32>,
      %gather3A_169 = tpu.vector_load_idx %arg5[%get3A_168] : memref<16xf32, #tpu.memory_space<vmem>>[vector<16xi32>], vector<16xf32>,
      %swap3A_170 = arith.constant 272 : index
      %swap3A_171 = tpu.vector_load %arg12[%swap3A_170] {strides = array<i32>} : memref<800xf32, #tpu.memory_space<vmem>>, vector<16xf32>,
      tpu.vector_store %arg12[%swap3A_170], %gather3A_169 {strides = array<i32>} : memref<800xf32, #tpu.memory_space<vmem>>, vector<16xf32>,
      %get3A_172 = arith.constant 288 : index
      %get3A_173 = tpu.vector_load %arg8[%get3A_172] {strides = array<i32>} : memref<800xi32, #tpu.memory_space<vmem>>, vector<16xi32>,
      %gather3A_174 = tpu.vector_load_idx %arg5[%get3A_173] : memref<16xf32, #tpu.memory_space<vmem>>[vector<16xi32>], vector<16xf32>,
      %swap3A_175 = arith.constant 288 : index
      %swap3A_176 = tpu.vector_load %arg12[%swap3A_175] {strides = array<i32>} : memref<800xf32, #tpu.memory_space<vmem>>, vector<16xf32>,
      tpu.vector_store %arg12[%swap3A_175], %gather3A_174 {strides = array<i32>} : memref<800xf32, #tpu.memory_space<vmem>>, vector<16xf32>,
      %get3A_177 = arith.constant 304 : index
      %get3A_178 = tpu.vector_load %arg8[%get3A_177] {strides = array<i32>} : memref<800xi32, #tpu.memory_space<vmem>>, vector<16xi32>,
      %gather3A_179 = tpu.vector_load_idx %arg5[%get3A_178] : memref<16xf32, #tpu.memory_space<vmem>>[vector<16xi32>], vector<16xf32>,
      %swap3A_180 = arith.constant 304 : index
      %swap3A_181 = tpu.vector_load %arg12[%swap3A_180] {strides = array<i32>} : memref<800xf32, #tpu.memory_space<vmem>>, vector<16xf32>,
      tpu.vector_store %arg12[%swap3A_180], %gather3A_179 {strides = array<i32>} : memref<800xf32, #tpu.memory_space<vmem>>, vector<16xf32>,
      %get3A_182 = arith.constant 320 : index
      %get3A_183 = tpu.vector_load %arg8[%get3A_182] {strides = array<i32>} : memref<800xi32, #tpu.memory_space<vmem>>, vector<16xi32>,
      %gather3A_184 = tpu.vector_load_idx %arg5[%get3A_183] : memref<16xf32, #tpu.memory_space<vmem>>[vector<16xi32>], vector<16xf32>,
      %swap3A_185 = arith.constant 320 : index
      %swap3A_186 = tpu.vector_load %arg12[%swap3A_185] {strides = array<i32>} : memref<800xf32, #tpu.memory_space<vmem>>, vector<16xf32>,
      tpu.vector_store %arg12[%swap3A_185], %gather3A_184 {strides = array<i32>} : memref<800xf32, #tpu.memory_space<vmem>>, vector<16xf32>,
      %get3A_187 = arith.constant 336 : index
      %get3A_188 = tpu.vector_load %arg8[%get3A_187] {strides = array<i32>} : memref<800xi32, #tpu.memory_space<vmem>>, vector<16xi32>,
      %gather3A_189 = tpu.vector_load_idx %arg5[%get3A_188] : memref<16xf32, #tpu.memory_space<vmem>>[vector<16xi32>], vector<16xf32>,
      %swap3A_190 = arith.constant 336 : index
      %swap3A_191 = tpu.vector_load %arg12[%swap3A_190] {strides = array<i32>} : memref<800xf32, #tpu.memory_space<vmem>>, vector<16xf32>,
      tpu.vector_store %arg12[%swap3A_190], %gather3A_189 {strides = array<i32>} : memref<800xf32, #tpu.memory_space<vmem>>, vector<16xf32>,
      %get3A_192 = arith.constant 352 : index
      %get3A_193 = tpu.vector_load %arg8[%get3A_192] {strides = array<i32>} : memref<800xi32, #tpu.memory_space<vmem>>, vector<16xi32>,
      %gather3A_194 = tpu.vector_load_idx %arg5[%get3A_193] : memref<16xf32, #tpu.memory_space<vmem>>[vector<16xi32>], vector<16xf32>,
      %swap3A_195 = arith.constant 352 : index
      %swap3A_196 = tpu.vector_load %arg12[%swap3A_195] {strides = array<i32>} : memref<800xf32, #tpu.memory_space<vmem>>, vector<16xf32>,
      tpu.vector_store %arg12[%swap3A_195], %gather3A_194 {strides = array<i32>} : memref<800xf32, #tpu.memory_space<vmem>>, vector<16xf32>,
      %get3A_197 = arith.constant 368 : index
      %get3A_198 = tpu.vector_load %arg8[%get3A_197] {strides = array<i32>} : memref<800xi32, #tpu.memory_space<vmem>>, vector<16xi32>,
      %gather3A_199 = tpu.vector_load_idx %arg5[%get3A_198] : memref<16xf32, #tpu.memory_space<vmem>>[vector<16xi32>], vector<16xf32>,
      %swap3A_200 = arith.constant 368 : index
      %swap3A_201 = tpu.vector_load %arg12[%swap3A_200] {strides = array<i32>} : memref<800xf32, #tpu.memory_space<vmem>>, vector<16xf32>,
      tpu.vector_store %arg12[%swap3A_200], %gather3A_199 {strides = array<i32>} : memref<800xf32, #tpu.memory_space<vmem>>, vector<16xf32>,
      %get3A_202 = arith.constant 384 : index
      %get3A_203 = tpu.vector_load %arg8[%get3A_202] {strides = array<i32>} : memref<800xi32, #tpu.memory_space<vmem>>, vector<16xi32>,
      %gather3A_204 = tpu.vector_load_idx %arg5[%get3A_203] : memref<16xf32, #tpu.memory_space<vmem>>[vector<16xi32>], vector<16xf32>,
      %swap3A_205 = arith.constant 384 : index
      %swap3A_206 = tpu.vector_load %arg12[%swap3A_205] {strides = array<i32>} : memref<800xf32, #tpu.memory_space<vmem>>, vector<16xf32>,
      tpu.vector_store %arg12[%swap3A_205], %gather3A_204 {strides = array<i32>} : memref<800xf32, #tpu.memory_space<vmem>>, vector<16xf32>,
      %get3A_207 = arith.constant 400 : index
      %get3A_208 = tpu.vector_load %arg8[%get3A_207] {strides = array<i32>} : memref<800xi32, #tpu.memory_space<vmem>>, vector<16xi32>,
      %gather3A_209 = tpu.vector_load_idx %arg5[%get3A_208] : memref<16xf32, #tpu.memory_space<vmem>>[vector<16xi32>], vector<16xf32>,
      %swap3A_210 = arith.constant 400 : index
      %swap3A_211 = tpu.vector_load %arg12[%swap3A_210] {strides = array<i32>} : memref<800xf32, #tpu.memory_space<vmem>>, vector<16xf32>,
      tpu.vector_store %arg12[%swap3A_210], %gather3A_209 {strides = array<i32>} : memref<800xf32, #tpu.memory_space<vmem>>, vector<16xf32>,
      %get3A_212 = arith.constant 416 : index
      %get3A_213 = tpu.vector_load %arg8[%get3A_212] {strides = array<i32>} : memref<800xi32, #tpu.memory_space<vmem>>, vector<16xi32>,
      %gather3A_214 = tpu.vector_load_idx %arg5[%get3A_213] : memref<16xf32, #tpu.memory_space<vmem>>[vector<16xi32>], vector<16xf32>,
      %swap3A_215 = arith.constant 416 : index
      %swap3A_216 = tpu.vector_load %arg12[%swap3A_215] {strides = array<i32>} : memref<800xf32, #tpu.memory_space<vmem>>, vector<16xf32>,
      tpu.vector_store %arg12[%swap3A_215], %gather3A_214 {strides = array<i32>} : memref<800xf32, #tpu.memory_space<vmem>>, vector<16xf32>,
      %get3A_217 = arith.constant 432 : index
      %get3A_218 = tpu.vector_load %arg8[%get3A_217] {strides = array<i32>} : memref<800xi32, #tpu.memory_space<vmem>>, vector<16xi32>,
      %gather3A_219 = tpu.vector_load_idx %arg5[%get3A_218] : memref<16xf32, #tpu.memory_space<vmem>>[vector<16xi32>], vector<16xf32>,
      %swap3A_220 = arith.constant 432 : index
      %swap3A_221 = tpu.vector_load %arg12[%swap3A_220] {strides = array<i32>} : memref<800xf32, #tpu.memory_space<vmem>>, vector<16xf32>,
      tpu.vector_store %arg12[%swap3A_220], %gather3A_219 {strides = array<i32>} : memref<800xf32, #tpu.memory_space<vmem>>, vector<16xf32>,
      %get3A_222 = arith.constant 448 : index
      %get3A_223 = tpu.vector_load %arg8[%get3A_222] {strides = array<i32>} : memref<800xi32, #tpu.memory_space<vmem>>, vector<16xi32>,
      %gather3A_224 = tpu.vector_load_idx %arg5[%get3A_223] : memref<16xf32, #tpu.memory_space<vmem>>[vector<16xi32>], vector<16xf32>,
      %swap3A_225 = arith.constant 448 : index
      %swap3A_226 = tpu.vector_load %arg12[%swap3A_225] {strides = array<i32>} : memref<800xf32, #tpu.memory_space<vmem>>, vector<16xf32>,
      tpu.vector_store %arg12[%swap3A_225], %gather3A_224 {strides = array<i32>} : memref<800xf32, #tpu.memory_space<vmem>>, vector<16xf32>,
      %get3A_227 = arith.constant 464 : index
      %get3A_228 = tpu.vector_load %arg8[%get3A_227] {strides = array<i32>} : memref<800xi32, #tpu.memory_space<vmem>>, vector<16xi32>,
      %gather3A_229 = tpu.vector_load_idx %arg5[%get3A_228] : memref<16xf32, #tpu.memory_space<vmem>>[vector<16xi32>], vector<16xf32>,
      %swap3A_230 = arith.constant 464 : index
      %swap3A_231 = tpu.vector_load %arg12[%swap3A_230] {strides = array<i32>} : memref<800xf32, #tpu.memory_space<vmem>>, vector<16xf32>,
      tpu.vector_store %arg12[%swap3A_230], %gather3A_229 {strides = array<i32>} : memref<800xf32, #tpu.memory_space<vmem>>, vector<16xf32>,
      %get3A_232 = arith.constant 480 : index
      %get3A_233 = tpu.vector_load %arg8[%get3A_232] {strides = array<i32>} : memref<800xi32, #tpu.memory_space<vmem>>, vector<16xi32>,
      %gather3A_234 = tpu.vector_load_idx %arg5[%get3A_233] : memref<16xf32, #tpu.memory_space<vmem>>[vector<16xi32>], vector<16xf32>,
      %swap3A_235 = arith.constant 480 : index
      %swap3A_236 = tpu.vector_load %arg12[%swap3A_235] {strides = array<i32>} : memref<800xf32, #tpu.memory_space<vmem>>, vector<16xf32>,
      tpu.vector_store %arg12[%swap3A_235], %gather3A_234 {strides = array<i32>} : memref<800xf32, #tpu.memory_space<vmem>>, vector<16xf32>,
      %get3A_237 = arith.constant 496 : index
      %get3A_238 = tpu.vector_load %arg8[%get3A_237] {strides = array<i32>} : memref<800xi32, #tpu.memory_space<vmem>>, vector<16xi32>,
      %gather3A_239 = tpu.vector_load_idx %arg5[%get3A_238] : memref<16xf32, #tpu.memory_space<vmem>>[vector<16xi32>], vector<16xf32>,
      %swap3A_240 = arith.constant 496 : index
      %swap3A_241 = tpu.vector_load %arg12[%swap3A_240] {strides = array<i32>} : memref<800xf32, #tpu.memory_space<vmem>>, vector<16xf32>,
      tpu.vector_store %arg12[%swap3A_240], %gather3A_239 {strides = array<i32>} : memref<800xf32, #tpu.memory_space<vmem>>, vector<16xf32>,
      %get3A_242 = arith.constant 512 : index
      %get3A_243 = tpu.vector_load %arg8[%get3A_242] {strides = array<i32>} : memref<800xi32, #tpu.memory_space<vmem>>, vector<16xi32>,
      %gather3A_244 = tpu.vector_load_idx %arg5[%get3A_243] : memref<16xf32, #tpu.memory_space<vmem>>[vector<16xi32>], vector<16xf32>,
      %swap3A_245 = arith.constant 512 : index
      %swap3A_246 = tpu.vector_load %arg12[%swap3A_245] {strides = array<i32>} : memref<800xf32, #tpu.memory_space<vmem>>, vector<16xf32>,
      tpu.vector_store %arg12[%swap3A_245], %gather3A_244 {strides = array<i32>} : memref<800xf32, #tpu.memory_space<vmem>>, vector<16xf32>,
      %get3A_247 = arith.constant 528 : index
      %get3A_248 = tpu.vector_load %arg8[%get3A_247] {strides = array<i32>} : memref<800xi32, #tpu.memory_space<vmem>>, vector<16xi32>,
      %gather3A_249 = tpu.vector_load_idx %arg5[%get3A_248] : memref<16xf32, #tpu.memory_space<vmem>>[vector<16xi32>], vector<16xf32>,
      %swap3A_250 = arith.constant 528 : index
      %swap3A_251 = tpu.vector_load %arg12[%swap3A_250] {strides = array<i32>} : memref<800xf32, #tpu.memory_space<vmem>>, vector<16xf32>,
      tpu.vector_store %arg12[%swap3A_250], %gather3A_249 {strides = array<i32>} : memref<800xf32, #tpu.memory_space<vmem>>, vector<16xf32>,
      %get3A_252 = arith.constant 544 : index
      %get3A_253 = tpu.vector_load %arg8[%get3A_252] {strides = array<i32>} : memref<800xi32, #tpu.memory_space<vmem>>, vector<16xi32>,
      %gather3A_254 = tpu.vector_load_idx %arg5[%get3A_253] : memref<16xf32, #tpu.memory_space<vmem>>[vector<16xi32>], vector<16xf32>,
      %swap3A_255 = arith.constant 544 : index
      %swap3A_256 = tpu.vector_load %arg12[%swap3A_255] {strides = array<i32>} : memref<800xf32, #tpu.memory_space<vmem>>, vector<16xf32>,
      tpu.vector_store %arg12[%swap3A_255], %gather3A_254 {strides = array<i32>} : memref<800xf32, #tpu.memory_space<vmem>>, vector<16xf32>,
      %get3A_257 = arith.constant 560 : index
      %get3A_258 = tpu.vector_load %arg8[%get3A_257] {strides = array<i32>} : memref<800xi32, #tpu.memory_space<vmem>>, vector<16xi32>,
      %gather3A_259 = tpu.vector_load_idx %arg5[%get3A_258] : memref<16xf32, #tpu.memory_space<vmem>>[vector<16xi32>], vector<16xf32>,
      %swap3A_260 = arith.constant 560 : index
      %swap3A_261 = tpu.vector_load %arg12[%swap3A_260] {strides = array<i32>} : memref<800xf32, #tpu.memory_space<vmem>>, vector<16xf32>,
      tpu.vector_store %arg12[%swap3A_260], %gather3A_259 {strides = array<i32>} : memref<800xf32, #tpu.memory_space<vmem>>, vector<16xf32>,
      %get3A_262 = arith.constant 576 : index
      %get3A_263 = tpu.vector_load %arg8[%get3A_262] {strides = array<i32>} : memref<800xi32, #tpu.memory_space<vmem>>, vector<16xi32>,
      %gather3A_264 = tpu.vector_load_idx %arg5[%get3A_263] : memref<16xf32, #tpu.memory_space<vmem>>[vector<16xi32>], vector<16xf32>,
      %swap3A_265 = arith.constant 576 : index
      %swap3A_266 = tpu.vector_load %arg12[%swap3A_265] {strides = array<i32>} : memref<800xf32, #tpu.memory_space<vmem>>, vector<16xf32>,
      tpu.vector_store %arg12[%swap3A_265], %gather3A_264 {strides = array<i32>} : memref<800xf32, #tpu.memory_space<vmem>>, vector<16xf32>,
      %get3A_267 = arith.constant 592 : index
      %get3A_268 = tpu.vector_load %arg8[%get3A_267] {strides = array<i32>} : memref<800xi32, #tpu.memory_space<vmem>>, vector<16xi32>,
      %gather3A_269 = tpu.vector_load_idx %arg5[%get3A_268] : memref<16xf32, #tpu.memory_space<vmem>>[vector<16xi32>], vector<16xf32>,
      %swap3A_270 = arith.constant 592 : index
      %swap3A_271 = tpu.vector_load %arg12[%swap3A_270] {strides = array<i32>} : memref<800xf32, #tpu.memory_space<vmem>>, vector<16xf32>,
      tpu.vector_store %arg12[%swap3A_270], %gather3A_269 {strides = array<i32>} : memref<800xf32, #tpu.memory_space<vmem>>, vector<16xf32>,
      %get3A_272 = arith.constant 608 : index
      %get3A_273 = tpu.vector_load %arg8[%get3A_272] {strides = array<i32>} : memref<800xi32, #tpu.memory_space<vmem>>, vector<16xi32>,
      %gather3A_274 = tpu.vector_load_idx %arg5[%get3A_273] : memref<16xf32, #tpu.memory_space<vmem>>[vector<16xi32>], vector<16xf32>,
      %swap3A_275 = arith.constant 608 : index
      %swap3A_276 = tpu.vector_load %arg12[%swap3A_275] {strides = array<i32>} : memref<800xf32, #tpu.memory_space<vmem>>, vector<16xf32>,
      tpu.vector_store %arg12[%swap3A_275], %gather3A_274 {strides = array<i32>} : memref<800xf32, #tpu.memory_space<vmem>>, vector<16xf32>,
      %get3A_277 = arith.constant 624 : index
      %get3A_278 = tpu.vector_load %arg8[%get3A_277] {strides = array<i32>} : memref<800xi32, #tpu.memory_space<vmem>>, vector<16xi32>,
      %gather3A_279 = tpu.vector_load_idx %arg5[%get3A_278] : memref<16xf32, #tpu.memory_space<vmem>>[vector<16xi32>], vector<16xf32>,
      %swap3A_280 = arith.constant 624 : index
      %swap3A_281 = tpu.vector_load %arg12[%swap3A_280] {strides = array<i32>} : memref<800xf32, #tpu.memory_space<vmem>>, vector<16xf32>,
      tpu.vector_store %arg12[%swap3A_280], %gather3A_279 {strides = array<i32>} : memref<800xf32, #tpu.memory_space<vmem>>, vector<16xf32>,
      %get3A_282 = arith.constant 640 : index
      %get3A_283 = tpu.vector_load %arg8[%get3A_282] {strides = array<i32>} : memref<800xi32, #tpu.memory_space<vmem>>, vector<16xi32>,
      %gather3A_284 = tpu.vector_load_idx %arg5[%get3A_283] : memref<16xf32, #tpu.memory_space<vmem>>[vector<16xi32>], vector<16xf32>,
      %swap3A_285 = arith.constant 640 : index
      %swap3A_286 = tpu.vector_load %arg12[%swap3A_285] {strides = array<i32>} : memref<800xf32, #tpu.memory_space<vmem>>, vector<16xf32>,
      tpu.vector_store %arg12[%swap3A_285], %gather3A_284 {strides = array<i32>} : memref<800xf32, #tpu.memory_space<vmem>>, vector<16xf32>,
      %get3A_287 = arith.constant 656 : index
      %get3A_288 = tpu.vector_load %arg8[%get3A_287] {strides = array<i32>} : memref<800xi32, #tpu.memory_space<vmem>>, vector<16xi32>,
      %gather3A_289 = tpu.vector_load_idx %arg5[%get3A_288] : memref<16xf32, #tpu.memory_space<vmem>>[vector<16xi32>], vector<16xf32>,
      %swap3A_290 = arith.constant 656 : index
      %swap3A_291 = tpu.vector_load %arg12[%swap3A_290] {strides = array<i32>} : memref<800xf32, #tpu.memory_space<vmem>>, vector<16xf32>,
      tpu.vector_store %arg12[%swap3A_290], %gather3A_289 {strides = array<i32>} : memref<800xf32, #tpu.memory_space<vmem>>, vector<16xf32>,
      %get3A_292 = arith.constant 672 : index
      %get3A_293 = tpu.vector_load %arg8[%get3A_292] {strides = array<i32>} : memref<800xi32, #tpu.memory_space<vmem>>, vector<16xi32>,
      %gather3A_294 = tpu.vector_load_idx %arg5[%get3A_293] : memref<16xf32, #tpu.memory_space<vmem>>[vector<16xi32>], vector<16xf32>,
      %swap3A_295 = arith.constant 672 : index
      %swap3A_296 = tpu.vector_load %arg12[%swap3A_295] {strides = array<i32>} : memref<800xf32, #tpu.memory_space<vmem>>, vector<16xf32>,
      tpu.vector_store %arg12[%swap3A_295], %gather3A_294 {strides = array<i32>} : memref<800xf32, #tpu.memory_space<vmem>>, vector<16xf32>,
      %get3A_297 = arith.constant 688 : index
      %get3A_298 = tpu.vector_load %arg8[%get3A_297] {strides = array<i32>} : memref<800xi32, #tpu.memory_space<vmem>>, vector<16xi32>,
      %gather3A_299 = tpu.vector_load_idx %arg5[%get3A_298] : memref<16xf32, #tpu.memory_space<vmem>>[vector<16xi32>], vector<16xf32>,
      %swap3A_300 = arith.constant 688 : index
      %swap3A_301 = tpu.vector_load %arg12[%swap3A_300] {strides = array<i32>} : memref<800xf32, #tpu.memory_space<vmem>>, vector<16xf32>,
      tpu.vector_store %arg12[%swap3A_300], %gather3A_299 {strides = array<i32>} : memref<800xf32, #tpu.memory_space<vmem>>, vector<16xf32>,
      %get3A_302 = arith.constant 704 : index
      %get3A_303 = tpu.vector_load %arg8[%get3A_302] {strides = array<i32>} : memref<800xi32, #tpu.memory_space<vmem>>, vector<16xi32>,
      %gather3A_304 = tpu.vector_load_idx %arg5[%get3A_303] : memref<16xf32, #tpu.memory_space<vmem>>[vector<16xi32>], vector<16xf32>,
      %swap3A_305 = arith.constant 704 : index
      %swap3A_306 = tpu.vector_load %arg12[%swap3A_305] {strides = array<i32>} : memref<800xf32, #tpu.memory_space<vmem>>, vector<16xf32>,
      tpu.vector_store %arg12[%swap3A_305], %gather3A_304 {strides = array<i32>} : memref<800xf32, #tpu.memory_space<vmem>>, vector<16xf32>,
      %get3A_307 = arith.constant 720 : index
      %get3A_308 = tpu.vector_load %arg8[%get3A_307] {strides = array<i32>} : memref<800xi32, #tpu.memory_space<vmem>>, vector<16xi32>,
      %gather3A_309 = tpu.vector_load_idx %arg5[%get3A_308] : memref<16xf32, #tpu.memory_space<vmem>>[vector<16xi32>], vector<16xf32>,
      %swap3A_310 = arith.constant 720 : index
      %swap3A_311 = tpu.vector_load %arg12[%swap3A_310] {strides = array<i32>} : memref<800xf32, #tpu.memory_space<vmem>>, vector<16xf32>,
      tpu.vector_store %arg12[%swap3A_310], %gather3A_309 {strides = array<i32>} : memref<800xf32, #tpu.memory_space<vmem>>, vector<16xf32>,
      %get3A_312 = arith.constant 736 : index
      %get3A_313 = tpu.vector_load %arg8[%get3A_312] {strides = array<i32>} : memref<800xi32, #tpu.memory_space<vmem>>, vector<16xi32>,
      %gather3A_314 = tpu.vector_load_idx %arg5[%get3A_313] : memref<16xf32, #tpu.memory_space<vmem>>[vector<16xi32>], vector<16xf32>,
      %swap3A_315 = arith.constant 736 : index
      %swap3A_316 = tpu.vector_load %arg12[%swap3A_315] {strides = array<i32>} : memref<800xf32, #tpu.memory_space<vmem>>, vector<16xf32>,
      tpu.vector_store %arg12[%swap3A_315], %gather3A_314 {strides = array<i32>} : memref<800xf32, #tpu.memory_space<vmem>>, vector<16xf32>,
      %get3A_317 = arith.constant 752 : index
      %get3A_318 = tpu.vector_load %arg8[%get3A_317] {strides = array<i32>} : memref<800xi32, #tpu.memory_space<vmem>>, vector<16xi32>,
      %gather3A_319 = tpu.vector_load_idx %arg5[%get3A_318] : memref<16xf32, #tpu.memory_space<vmem>>[vector<16xi32>], vector<16xf32>,
      %swap3A_320 = arith.constant 752 : index
      %swap3A_321 = tpu.vector_load %arg12[%swap3A_320] {strides = array<i32>} : memref<800xf32, #tpu.memory_space<vmem>>, vector<16xf32>,
      tpu.vector_store %arg12[%swap3A_320], %gather3A_319 {strides = array<i32>} : memref<800xf32, #tpu.memory_space<vmem>>, vector<16xf32>,
      %get3A_322 = arith.constant 768 : index
      %get3A_323 = tpu.vector_load %arg8[%get3A_322] {strides = array<i32>} : memref<800xi32, #tpu.memory_space<vmem>>, vector<16xi32>,
      %gather3A_324 = tpu.vector_load_idx %arg5[%get3A_323] : memref<16xf32, #tpu.memory_space<vmem>>[vector<16xi32>], vector<16xf32>,
      %swap3A_325 = arith.constant 768 : index
      %swap3A_326 = tpu.vector_load %arg12[%swap3A_325] {strides = array<i32>} : memref<800xf32, #tpu.memory_space<vmem>>, vector<16xf32>,
      tpu.vector_store %arg12[%swap3A_325], %gather3A_324 {strides = array<i32>} : memref<800xf32, #tpu.memory_space<vmem>>, vector<16xf32>,
      %get3A_327 = arith.constant 784 : index
      %get3A_328 = tpu.vector_load %arg8[%get3A_327] {strides = array<i32>} : memref<800xi32, #tpu.memory_space<vmem>>, vector<16xi32>,
      %gather3A_329 = tpu.vector_load_idx %arg5[%get3A_328] : memref<16xf32, #tpu.memory_space<vmem>>[vector<16xi32>], vector<16xf32>,
      %swap3A_330 = arith.constant 784 : index
      %swap3A_331 = tpu.vector_load %arg12[%swap3A_330] {strides = array<i32>} : memref<800xf32, #tpu.memory_space<vmem>>, vector<16xf32>,
      tpu.vector_store %arg12[%swap3A_330], %gather3A_329 {strides = array<i32>} : memref<800xf32, #tpu.memory_space<vmem>>, vector<16xf32>,
      %mul3A_332 = arith.constant 800 : i32
      %mul3A_333 = arith.muli %add3A_41, %mul3A_332 : i32
      %dma_start3A = tpu.memref_slice %arg4[%mul3A_333] : memref<100000xf32, #tpu.memory_space<hbm>> -> memref<800xf32, #tpu.memory_space<hbm>>
      %dma_start3A_334 = tpu.memref_slice %arg4[%mul3A_333] : memref<100000xf32, #tpu.memory_space<hbm>> -> memref<800xf32, #tpu.memory_space<hbm>>
      tpu.enqueue_dma source(%arg12 : memref<800xf32, #tpu.memory_space<vmem>>) target(%dma_start3A_334 : memref<800xf32, #tpu.memory_space<hbm>>) target_semaphore(%arg20 : memref<!tpu.dma_semaphore, #tpu.memory_space<semaphore_mem>>)
    } else {
    }
    %add3A_47 = arith.constant 96 : i32
    %add3A_48 = arith.addi %add3A, %add3A_47 : i32
    %lt3A_49 = arith.constant 125 : i32
    %lt3A_50 = arith.cmpi slt, %add3A_48, %lt3A_49 : i32
    %convert_element_type3A_51 = arith.extui %lt3A_50 : i1 to i32
    %cond3A_52 = arith.constant 0 : i32
    %cond3A_53 = arith.cmpi ne, %convert_element_type3A_51, %cond3A_52 : i32
    scf.if %cond3A_53 {
      %mul3A_82 = arith.constant 800 : i32
      %mul3A_83 = arith.muli %add3A_48, %mul3A_82 : i32
      %dma_wait3A = tpu.memref_slice %arg2[%mul3A_83] : memref<100000xi32, #tpu.memory_space<hbm>> -> memref<800xi32, #tpu.memory_space<hbm>>
      %dma_wait3A_84 = tpu.memref_slice %arg2[%mul3A_83] : memref<100000xi32, #tpu.memory_space<hbm>> -> memref<800xi32, #tpu.memory_space<hbm>>
      tpu.wait_dma2 semaphore(%arg17 : memref<!tpu.dma_semaphore, #tpu.memory_space<semaphore_mem>>) src(%dma_wait3A_84 : memref<800xi32, #tpu.memory_space<hbm>>) dst(%arg9 : memref<800xi32, #tpu.memory_space<vmem>>)
      %get3A = arith.constant 0 : index
      %get3A_85 = tpu.vector_load %arg9[%get3A] {strides = array<i32>} : memref<800xi32, #tpu.memory_space<vmem>>, vector<16xi32>,
      %gather3A = tpu.vector_load_idx %arg5[%get3A_85] : memref<16xf32, #tpu.memory_space<vmem>>[vector<16xi32>], vector<16xf32>,
      %swap3A = arith.constant 0 : index
      %swap3A_86 = tpu.vector_load %arg13[%swap3A] {strides = array<i32>} : memref<800xf32, #tpu.memory_space<vmem>>, vector<16xf32>,
      tpu.vector_store %arg13[%swap3A], %gather3A {strides = array<i32>} : memref<800xf32, #tpu.memory_space<vmem>>, vector<16xf32>,
      %get3A_87 = arith.constant 16 : index
      %get3A_88 = tpu.vector_load %arg9[%get3A_87] {strides = array<i32>} : memref<800xi32, #tpu.memory_space<vmem>>, vector<16xi32>,
      %gather3A_89 = tpu.vector_load_idx %arg5[%get3A_88] : memref<16xf32, #tpu.memory_space<vmem>>[vector<16xi32>], vector<16xf32>,
      %swap3A_90 = arith.constant 16 : index
      %swap3A_91 = tpu.vector_load %arg13[%swap3A_90] {strides = array<i32>} : memref<800xf32, #tpu.memory_space<vmem>>, vector<16xf32>,
      tpu.vector_store %arg13[%swap3A_90], %gather3A_89 {strides = array<i32>} : memref<800xf32, #tpu.memory_space<vmem>>, vector<16xf32>,
      %get3A_92 = arith.constant 32 : index
      %get3A_93 = tpu.vector_load %arg9[%get3A_92] {strides = array<i32>} : memref<800xi32, #tpu.memory_space<vmem>>, vector<16xi32>,
      %gather3A_94 = tpu.vector_load_idx %arg5[%get3A_93] : memref<16xf32, #tpu.memory_space<vmem>>[vector<16xi32>], vector<16xf32>,
      %swap3A_95 = arith.constant 32 : index
      %swap3A_96 = tpu.vector_load %arg13[%swap3A_95] {strides = array<i32>} : memref<800xf32, #tpu.memory_space<vmem>>, vector<16xf32>,
      tpu.vector_store %arg13[%swap3A_95], %gather3A_94 {strides = array<i32>} : memref<800xf32, #tpu.memory_space<vmem>>, vector<16xf32>,
      %get3A_97 = arith.constant 48 : index
      %get3A_98 = tpu.vector_load %arg9[%get3A_97] {strides = array<i32>} : memref<800xi32, #tpu.memory_space<vmem>>, vector<16xi32>,
      %gather3A_99 = tpu.vector_load_idx %arg5[%get3A_98] : memref<16xf32, #tpu.memory_space<vmem>>[vector<16xi32>], vector<16xf32>,
      %swap3A_100 = arith.constant 48 : index
      %swap3A_101 = tpu.vector_load %arg13[%swap3A_100] {strides = array<i32>} : memref<800xf32, #tpu.memory_space<vmem>>, vector<16xf32>,
      tpu.vector_store %arg13[%swap3A_100], %gather3A_99 {strides = array<i32>} : memref<800xf32, #tpu.memory_space<vmem>>, vector<16xf32>,
      %get3A_102 = arith.constant 64 : index
      %get3A_103 = tpu.vector_load %arg9[%get3A_102] {strides = array<i32>} : memref<800xi32, #tpu.memory_space<vmem>>, vector<16xi32>,
      %gather3A_104 = tpu.vector_load_idx %arg5[%get3A_103] : memref<16xf32, #tpu.memory_space<vmem>>[vector<16xi32>], vector<16xf32>,
      %swap3A_105 = arith.constant 64 : index
      %swap3A_106 = tpu.vector_load %arg13[%swap3A_105] {strides = array<i32>} : memref<800xf32, #tpu.memory_space<vmem>>, vector<16xf32>,
      tpu.vector_store %arg13[%swap3A_105], %gather3A_104 {strides = array<i32>} : memref<800xf32, #tpu.memory_space<vmem>>, vector<16xf32>,
      %get3A_107 = arith.constant 80 : index
      %get3A_108 = tpu.vector_load %arg9[%get3A_107] {strides = array<i32>} : memref<800xi32, #tpu.memory_space<vmem>>, vector<16xi32>,
      %gather3A_109 = tpu.vector_load_idx %arg5[%get3A_108] : memref<16xf32, #tpu.memory_space<vmem>>[vector<16xi32>], vector<16xf32>,
      %swap3A_110 = arith.constant 80 : index
      %swap3A_111 = tpu.vector_load %arg13[%swap3A_110] {strides = array<i32>} : memref<800xf32, #tpu.memory_space<vmem>>, vector<16xf32>,
      tpu.vector_store %arg13[%swap3A_110], %gather3A_109 {strides = array<i32>} : memref<800xf32, #tpu.memory_space<vmem>>, vector<16xf32>,
      %get3A_112 = arith.constant 96 : index
      %get3A_113 = tpu.vector_load %arg9[%get3A_112] {strides = array<i32>} : memref<800xi32, #tpu.memory_space<vmem>>, vector<16xi32>,
      %gather3A_114 = tpu.vector_load_idx %arg5[%get3A_113] : memref<16xf32, #tpu.memory_space<vmem>>[vector<16xi32>], vector<16xf32>,
      %swap3A_115 = arith.constant 96 : index
      %swap3A_116 = tpu.vector_load %arg13[%swap3A_115] {strides = array<i32>} : memref<800xf32, #tpu.memory_space<vmem>>, vector<16xf32>,
      tpu.vector_store %arg13[%swap3A_115], %gather3A_114 {strides = array<i32>} : memref<800xf32, #tpu.memory_space<vmem>>, vector<16xf32>,
      %get3A_117 = arith.constant 112 : index
      %get3A_118 = tpu.vector_load %arg9[%get3A_117] {strides = array<i32>} : memref<800xi32, #tpu.memory_space<vmem>>, vector<16xi32>,
      %gather3A_119 = tpu.vector_load_idx %arg5[%get3A_118] : memref<16xf32, #tpu.memory_space<vmem>>[vector<16xi32>], vector<16xf32>,
      %swap3A_120 = arith.constant 112 : index
      %swap3A_121 = tpu.vector_load %arg13[%swap3A_120] {strides = array<i32>} : memref<800xf32, #tpu.memory_space<vmem>>, vector<16xf32>,
      tpu.vector_store %arg13[%swap3A_120], %gather3A_119 {strides = array<i32>} : memref<800xf32, #tpu.memory_space<vmem>>, vector<16xf32>,
      %get3A_122 = arith.constant 128 : index
      %get3A_123 = tpu.vector_load %arg9[%get3A_122] {strides = array<i32>} : memref<800xi32, #tpu.memory_space<vmem>>, vector<16xi32>,
      %gather3A_124 = tpu.vector_load_idx %arg5[%get3A_123] : memref<16xf32, #tpu.memory_space<vmem>>[vector<16xi32>], vector<16xf32>,
      %swap3A_125 = arith.constant 128 : index
      %swap3A_126 = tpu.vector_load %arg13[%swap3A_125] {strides = array<i32>} : memref<800xf32, #tpu.memory_space<vmem>>, vector<16xf32>,
      tpu.vector_store %arg13[%swap3A_125], %gather3A_124 {strides = array<i32>} : memref<800xf32, #tpu.memory_space<vmem>>, vector<16xf32>,
      %get3A_127 = arith.constant 144 : index
      %get3A_128 = tpu.vector_load %arg9[%get3A_127] {strides = array<i32>} : memref<800xi32, #tpu.memory_space<vmem>>, vector<16xi32>,
      %gather3A_129 = tpu.vector_load_idx %arg5[%get3A_128] : memref<16xf32, #tpu.memory_space<vmem>>[vector<16xi32>], vector<16xf32>,
      %swap3A_130 = arith.constant 144 : index
      %swap3A_131 = tpu.vector_load %arg13[%swap3A_130] {strides = array<i32>} : memref<800xf32, #tpu.memory_space<vmem>>, vector<16xf32>,
      tpu.vector_store %arg13[%swap3A_130], %gather3A_129 {strides = array<i32>} : memref<800xf32, #tpu.memory_space<vmem>>, vector<16xf32>,
      %get3A_132 = arith.constant 160 : index
      %get3A_133 = tpu.vector_load %arg9[%get3A_132] {strides = array<i32>} : memref<800xi32, #tpu.memory_space<vmem>>, vector<16xi32>,
      %gather3A_134 = tpu.vector_load_idx %arg5[%get3A_133] : memref<16xf32, #tpu.memory_space<vmem>>[vector<16xi32>], vector<16xf32>,
      %swap3A_135 = arith.constant 160 : index
      %swap3A_136 = tpu.vector_load %arg13[%swap3A_135] {strides = array<i32>} : memref<800xf32, #tpu.memory_space<vmem>>, vector<16xf32>,
      tpu.vector_store %arg13[%swap3A_135], %gather3A_134 {strides = array<i32>} : memref<800xf32, #tpu.memory_space<vmem>>, vector<16xf32>,
      %get3A_137 = arith.constant 176 : index
      %get3A_138 = tpu.vector_load %arg9[%get3A_137] {strides = array<i32>} : memref<800xi32, #tpu.memory_space<vmem>>, vector<16xi32>,
      %gather3A_139 = tpu.vector_load_idx %arg5[%get3A_138] : memref<16xf32, #tpu.memory_space<vmem>>[vector<16xi32>], vector<16xf32>,
      %swap3A_140 = arith.constant 176 : index
      %swap3A_141 = tpu.vector_load %arg13[%swap3A_140] {strides = array<i32>} : memref<800xf32, #tpu.memory_space<vmem>>, vector<16xf32>,
      tpu.vector_store %arg13[%swap3A_140], %gather3A_139 {strides = array<i32>} : memref<800xf32, #tpu.memory_space<vmem>>, vector<16xf32>,
      %get3A_142 = arith.constant 192 : index
      %get3A_143 = tpu.vector_load %arg9[%get3A_142] {strides = array<i32>} : memref<800xi32, #tpu.memory_space<vmem>>, vector<16xi32>,
      %gather3A_144 = tpu.vector_load_idx %arg5[%get3A_143] : memref<16xf32, #tpu.memory_space<vmem>>[vector<16xi32>], vector<16xf32>,
      %swap3A_145 = arith.constant 192 : index
      %swap3A_146 = tpu.vector_load %arg13[%swap3A_145] {strides = array<i32>} : memref<800xf32, #tpu.memory_space<vmem>>, vector<16xf32>,
      tpu.vector_store %arg13[%swap3A_145], %gather3A_144 {strides = array<i32>} : memref<800xf32, #tpu.memory_space<vmem>>, vector<16xf32>,
      %get3A_147 = arith.constant 208 : index
      %get3A_148 = tpu.vector_load %arg9[%get3A_147] {strides = array<i32>} : memref<800xi32, #tpu.memory_space<vmem>>, vector<16xi32>,
      %gather3A_149 = tpu.vector_load_idx %arg5[%get3A_148] : memref<16xf32, #tpu.memory_space<vmem>>[vector<16xi32>], vector<16xf32>,
      %swap3A_150 = arith.constant 208 : index
      %swap3A_151 = tpu.vector_load %arg13[%swap3A_150] {strides = array<i32>} : memref<800xf32, #tpu.memory_space<vmem>>, vector<16xf32>,
      tpu.vector_store %arg13[%swap3A_150], %gather3A_149 {strides = array<i32>} : memref<800xf32, #tpu.memory_space<vmem>>, vector<16xf32>,
      %get3A_152 = arith.constant 224 : index
      %get3A_153 = tpu.vector_load %arg9[%get3A_152] {strides = array<i32>} : memref<800xi32, #tpu.memory_space<vmem>>, vector<16xi32>,
      %gather3A_154 = tpu.vector_load_idx %arg5[%get3A_153] : memref<16xf32, #tpu.memory_space<vmem>>[vector<16xi32>], vector<16xf32>,
      %swap3A_155 = arith.constant 224 : index
      %swap3A_156 = tpu.vector_load %arg13[%swap3A_155] {strides = array<i32>} : memref<800xf32, #tpu.memory_space<vmem>>, vector<16xf32>,
      tpu.vector_store %arg13[%swap3A_155], %gather3A_154 {strides = array<i32>} : memref<800xf32, #tpu.memory_space<vmem>>, vector<16xf32>,
      %get3A_157 = arith.constant 240 : index
      %get3A_158 = tpu.vector_load %arg9[%get3A_157] {strides = array<i32>} : memref<800xi32, #tpu.memory_space<vmem>>, vector<16xi32>,
      %gather3A_159 = tpu.vector_load_idx %arg5[%get3A_158] : memref<16xf32, #tpu.memory_space<vmem>>[vector<16xi32>], vector<16xf32>,
      %swap3A_160 = arith.constant 240 : index
      %swap3A_161 = tpu.vector_load %arg13[%swap3A_160] {strides = array<i32>} : memref<800xf32, #tpu.memory_space<vmem>>, vector<16xf32>,
      tpu.vector_store %arg13[%swap3A_160], %gather3A_159 {strides = array<i32>} : memref<800xf32, #tpu.memory_space<vmem>>, vector<16xf32>,
      %get3A_162 = arith.constant 256 : index
      %get3A_163 = tpu.vector_load %arg9[%get3A_162] {strides = array<i32>} : memref<800xi32, #tpu.memory_space<vmem>>, vector<16xi32>,
      %gather3A_164 = tpu.vector_load_idx %arg5[%get3A_163] : memref<16xf32, #tpu.memory_space<vmem>>[vector<16xi32>], vector<16xf32>,
      %swap3A_165 = arith.constant 256 : index
      %swap3A_166 = tpu.vector_load %arg13[%swap3A_165] {strides = array<i32>} : memref<800xf32, #tpu.memory_space<vmem>>, vector<16xf32>,
      tpu.vector_store %arg13[%swap3A_165], %gather3A_164 {strides = array<i32>} : memref<800xf32, #tpu.memory_space<vmem>>, vector<16xf32>,
      %get3A_167 = arith.constant 272 : index
      %get3A_168 = tpu.vector_load %arg9[%get3A_167] {strides = array<i32>} : memref<800xi32, #tpu.memory_space<vmem>>, vector<16xi32>,
      %gather3A_169 = tpu.vector_load_idx %arg5[%get3A_168] : memref<16xf32, #tpu.memory_space<vmem>>[vector<16xi32>], vector<16xf32>,
      %swap3A_170 = arith.constant 272 : index
      %swap3A_171 = tpu.vector_load %arg13[%swap3A_170] {strides = array<i32>} : memref<800xf32, #tpu.memory_space<vmem>>, vector<16xf32>,
      tpu.vector_store %arg13[%swap3A_170], %gather3A_169 {strides = array<i32>} : memref<800xf32, #tpu.memory_space<vmem>>, vector<16xf32>,
      %get3A_172 = arith.constant 288 : index
      %get3A_173 = tpu.vector_load %arg9[%get3A_172] {strides = array<i32>} : memref<800xi32, #tpu.memory_space<vmem>>, vector<16xi32>,
      %gather3A_174 = tpu.vector_load_idx %arg5[%get3A_173] : memref<16xf32, #tpu.memory_space<vmem>>[vector<16xi32>], vector<16xf32>,
      %swap3A_175 = arith.constant 288 : index
      %swap3A_176 = tpu.vector_load %arg13[%swap3A_175] {strides = array<i32>} : memref<800xf32, #tpu.memory_space<vmem>>, vector<16xf32>,
      tpu.vector_store %arg13[%swap3A_175], %gather3A_174 {strides = array<i32>} : memref<800xf32, #tpu.memory_space<vmem>>, vector<16xf32>,
      %get3A_177 = arith.constant 304 : index
      %get3A_178 = tpu.vector_load %arg9[%get3A_177] {strides = array<i32>} : memref<800xi32, #tpu.memory_space<vmem>>, vector<16xi32>,
      %gather3A_179 = tpu.vector_load_idx %arg5[%get3A_178] : memref<16xf32, #tpu.memory_space<vmem>>[vector<16xi32>], vector<16xf32>,
      %swap3A_180 = arith.constant 304 : index
      %swap3A_181 = tpu.vector_load %arg13[%swap3A_180] {strides = array<i32>} : memref<800xf32, #tpu.memory_space<vmem>>, vector<16xf32>,
      tpu.vector_store %arg13[%swap3A_180], %gather3A_179 {strides = array<i32>} : memref<800xf32, #tpu.memory_space<vmem>>, vector<16xf32>,
      %get3A_182 = arith.constant 320 : index
      %get3A_183 = tpu.vector_load %arg9[%get3A_182] {strides = array<i32>} : memref<800xi32, #tpu.memory_space<vmem>>, vector<16xi32>,
      %gather3A_184 = tpu.vector_load_idx %arg5[%get3A_183] : memref<16xf32, #tpu.memory_space<vmem>>[vector<16xi32>], vector<16xf32>,
      %swap3A_185 = arith.constant 320 : index
      %swap3A_186 = tpu.vector_load %arg13[%swap3A_185] {strides = array<i32>} : memref<800xf32, #tpu.memory_space<vmem>>, vector<16xf32>,
      tpu.vector_store %arg13[%swap3A_185], %gather3A_184 {strides = array<i32>} : memref<800xf32, #tpu.memory_space<vmem>>, vector<16xf32>,
      %get3A_187 = arith.constant 336 : index
      %get3A_188 = tpu.vector_load %arg9[%get3A_187] {strides = array<i32>} : memref<800xi32, #tpu.memory_space<vmem>>, vector<16xi32>,
      %gather3A_189 = tpu.vector_load_idx %arg5[%get3A_188] : memref<16xf32, #tpu.memory_space<vmem>>[vector<16xi32>], vector<16xf32>,
      %swap3A_190 = arith.constant 336 : index
      %swap3A_191 = tpu.vector_load %arg13[%swap3A_190] {strides = array<i32>} : memref<800xf32, #tpu.memory_space<vmem>>, vector<16xf32>,
      tpu.vector_store %arg13[%swap3A_190], %gather3A_189 {strides = array<i32>} : memref<800xf32, #tpu.memory_space<vmem>>, vector<16xf32>,
      %get3A_192 = arith.constant 352 : index
      %get3A_193 = tpu.vector_load %arg9[%get3A_192] {strides = array<i32>} : memref<800xi32, #tpu.memory_space<vmem>>, vector<16xi32>,
      %gather3A_194 = tpu.vector_load_idx %arg5[%get3A_193] : memref<16xf32, #tpu.memory_space<vmem>>[vector<16xi32>], vector<16xf32>,
      %swap3A_195 = arith.constant 352 : index
      %swap3A_196 = tpu.vector_load %arg13[%swap3A_195] {strides = array<i32>} : memref<800xf32, #tpu.memory_space<vmem>>, vector<16xf32>,
      tpu.vector_store %arg13[%swap3A_195], %gather3A_194 {strides = array<i32>} : memref<800xf32, #tpu.memory_space<vmem>>, vector<16xf32>,
      %get3A_197 = arith.constant 368 : index
      %get3A_198 = tpu.vector_load %arg9[%get3A_197] {strides = array<i32>} : memref<800xi32, #tpu.memory_space<vmem>>, vector<16xi32>,
      %gather3A_199 = tpu.vector_load_idx %arg5[%get3A_198] : memref<16xf32, #tpu.memory_space<vmem>>[vector<16xi32>], vector<16xf32>,
      %swap3A_200 = arith.constant 368 : index
      %swap3A_201 = tpu.vector_load %arg13[%swap3A_200] {strides = array<i32>} : memref<800xf32, #tpu.memory_space<vmem>>, vector<16xf32>,
      tpu.vector_store %arg13[%swap3A_200], %gather3A_199 {strides = array<i32>} : memref<800xf32, #tpu.memory_space<vmem>>, vector<16xf32>,
      %get3A_202 = arith.constant 384 : index
      %get3A_203 = tpu.vector_load %arg9[%get3A_202] {strides = array<i32>} : memref<800xi32, #tpu.memory_space<vmem>>, vector<16xi32>,
      %gather3A_204 = tpu.vector_load_idx %arg5[%get3A_203] : memref<16xf32, #tpu.memory_space<vmem>>[vector<16xi32>], vector<16xf32>,
      %swap3A_205 = arith.constant 384 : index
      %swap3A_206 = tpu.vector_load %arg13[%swap3A_205] {strides = array<i32>} : memref<800xf32, #tpu.memory_space<vmem>>, vector<16xf32>,
      tpu.vector_store %arg13[%swap3A_205], %gather3A_204 {strides = array<i32>} : memref<800xf32, #tpu.memory_space<vmem>>, vector<16xf32>,
      %get3A_207 = arith.constant 400 : index
      %get3A_208 = tpu.vector_load %arg9[%get3A_207] {strides = array<i32>} : memref<800xi32, #tpu.memory_space<vmem>>, vector<16xi32>,
      %gather3A_209 = tpu.vector_load_idx %arg5[%get3A_208] : memref<16xf32, #tpu.memory_space<vmem>>[vector<16xi32>], vector<16xf32>,
      %swap3A_210 = arith.constant 400 : index
      %swap3A_211 = tpu.vector_load %arg13[%swap3A_210] {strides = array<i32>} : memref<800xf32, #tpu.memory_space<vmem>>, vector<16xf32>,
      tpu.vector_store %arg13[%swap3A_210], %gather3A_209 {strides = array<i32>} : memref<800xf32, #tpu.memory_space<vmem>>, vector<16xf32>,
      %get3A_212 = arith.constant 416 : index
      %get3A_213 = tpu.vector_load %arg9[%get3A_212] {strides = array<i32>} : memref<800xi32, #tpu.memory_space<vmem>>, vector<16xi32>,
      %gather3A_214 = tpu.vector_load_idx %arg5[%get3A_213] : memref<16xf32, #tpu.memory_space<vmem>>[vector<16xi32>], vector<16xf32>,
      %swap3A_215 = arith.constant 416 : index
      %swap3A_216 = tpu.vector_load %arg13[%swap3A_215] {strides = array<i32>} : memref<800xf32, #tpu.memory_space<vmem>>, vector<16xf32>,
      tpu.vector_store %arg13[%swap3A_215], %gather3A_214 {strides = array<i32>} : memref<800xf32, #tpu.memory_space<vmem>>, vector<16xf32>,
      %get3A_217 = arith.constant 432 : index
      %get3A_218 = tpu.vector_load %arg9[%get3A_217] {strides = array<i32>} : memref<800xi32, #tpu.memory_space<vmem>>, vector<16xi32>,
      %gather3A_219 = tpu.vector_load_idx %arg5[%get3A_218] : memref<16xf32, #tpu.memory_space<vmem>>[vector<16xi32>], vector<16xf32>,
      %swap3A_220 = arith.constant 432 : index
      %swap3A_221 = tpu.vector_load %arg13[%swap3A_220] {strides = array<i32>} : memref<800xf32, #tpu.memory_space<vmem>>, vector<16xf32>,
      tpu.vector_store %arg13[%swap3A_220], %gather3A_219 {strides = array<i32>} : memref<800xf32, #tpu.memory_space<vmem>>, vector<16xf32>,
      %get3A_222 = arith.constant 448 : index
      %get3A_223 = tpu.vector_load %arg9[%get3A_222] {strides = array<i32>} : memref<800xi32, #tpu.memory_space<vmem>>, vector<16xi32>,
      %gather3A_224 = tpu.vector_load_idx %arg5[%get3A_223] : memref<16xf32, #tpu.memory_space<vmem>>[vector<16xi32>], vector<16xf32>,
      %swap3A_225 = arith.constant 448 : index
      %swap3A_226 = tpu.vector_load %arg13[%swap3A_225] {strides = array<i32>} : memref<800xf32, #tpu.memory_space<vmem>>, vector<16xf32>,
      tpu.vector_store %arg13[%swap3A_225], %gather3A_224 {strides = array<i32>} : memref<800xf32, #tpu.memory_space<vmem>>, vector<16xf32>,
      %get3A_227 = arith.constant 464 : index
      %get3A_228 = tpu.vector_load %arg9[%get3A_227] {strides = array<i32>} : memref<800xi32, #tpu.memory_space<vmem>>, vector<16xi32>,
      %gather3A_229 = tpu.vector_load_idx %arg5[%get3A_228] : memref<16xf32, #tpu.memory_space<vmem>>[vector<16xi32>], vector<16xf32>,
      %swap3A_230 = arith.constant 464 : index
      %swap3A_231 = tpu.vector_load %arg13[%swap3A_230] {strides = array<i32>} : memref<800xf32, #tpu.memory_space<vmem>>, vector<16xf32>,
      tpu.vector_store %arg13[%swap3A_230], %gather3A_229 {strides = array<i32>} : memref<800xf32, #tpu.memory_space<vmem>>, vector<16xf32>,
      %get3A_232 = arith.constant 480 : index
      %get3A_233 = tpu.vector_load %arg9[%get3A_232] {strides = array<i32>} : memref<800xi32, #tpu.memory_space<vmem>>, vector<16xi32>,
      %gather3A_234 = tpu.vector_load_idx %arg5[%get3A_233] : memref<16xf32, #tpu.memory_space<vmem>>[vector<16xi32>], vector<16xf32>,
      %swap3A_235 = arith.constant 480 : index
      %swap3A_236 = tpu.vector_load %arg13[%swap3A_235] {strides = array<i32>} : memref<800xf32, #tpu.memory_space<vmem>>, vector<16xf32>,
      tpu.vector_store %arg13[%swap3A_235], %gather3A_234 {strides = array<i32>} : memref<800xf32, #tpu.memory_space<vmem>>, vector<16xf32>,
      %get3A_237 = arith.constant 496 : index
      %get3A_238 = tpu.vector_load %arg9[%get3A_237] {strides = array<i32>} : memref<800xi32, #tpu.memory_space<vmem>>, vector<16xi32>,
      %gather3A_239 = tpu.vector_load_idx %arg5[%get3A_238] : memref<16xf32, #tpu.memory_space<vmem>>[vector<16xi32>], vector<16xf32>,
      %swap3A_240 = arith.constant 496 : index
      %swap3A_241 = tpu.vector_load %arg13[%swap3A_240] {strides = array<i32>} : memref<800xf32, #tpu.memory_space<vmem>>, vector<16xf32>,
      tpu.vector_store %arg13[%swap3A_240], %gather3A_239 {strides = array<i32>} : memref<800xf32, #tpu.memory_space<vmem>>, vector<16xf32>,
      %get3A_242 = arith.constant 512 : index
      %get3A_243 = tpu.vector_load %arg9[%get3A_242] {strides = array<i32>} : memref<800xi32, #tpu.memory_space<vmem>>, vector<16xi32>,
      %gather3A_244 = tpu.vector_load_idx %arg5[%get3A_243] : memref<16xf32, #tpu.memory_space<vmem>>[vector<16xi32>], vector<16xf32>,
      %swap3A_245 = arith.constant 512 : index
      %swap3A_246 = tpu.vector_load %arg13[%swap3A_245] {strides = array<i32>} : memref<800xf32, #tpu.memory_space<vmem>>, vector<16xf32>,
      tpu.vector_store %arg13[%swap3A_245], %gather3A_244 {strides = array<i32>} : memref<800xf32, #tpu.memory_space<vmem>>, vector<16xf32>,
      %get3A_247 = arith.constant 528 : index
      %get3A_248 = tpu.vector_load %arg9[%get3A_247] {strides = array<i32>} : memref<800xi32, #tpu.memory_space<vmem>>, vector<16xi32>,
      %gather3A_249 = tpu.vector_load_idx %arg5[%get3A_248] : memref<16xf32, #tpu.memory_space<vmem>>[vector<16xi32>], vector<16xf32>,
      %swap3A_250 = arith.constant 528 : index
      %swap3A_251 = tpu.vector_load %arg13[%swap3A_250] {strides = array<i32>} : memref<800xf32, #tpu.memory_space<vmem>>, vector<16xf32>,
      tpu.vector_store %arg13[%swap3A_250], %gather3A_249 {strides = array<i32>} : memref<800xf32, #tpu.memory_space<vmem>>, vector<16xf32>,
      %get3A_252 = arith.constant 544 : index
      %get3A_253 = tpu.vector_load %arg9[%get3A_252] {strides = array<i32>} : memref<800xi32, #tpu.memory_space<vmem>>, vector<16xi32>,
      %gather3A_254 = tpu.vector_load_idx %arg5[%get3A_253] : memref<16xf32, #tpu.memory_space<vmem>>[vector<16xi32>], vector<16xf32>,
      %swap3A_255 = arith.constant 544 : index
      %swap3A_256 = tpu.vector_load %arg13[%swap3A_255] {strides = array<i32>} : memref<800xf32, #tpu.memory_space<vmem>>, vector<16xf32>,
      tpu.vector_store %arg13[%swap3A_255], %gather3A_254 {strides = array<i32>} : memref<800xf32, #tpu.memory_space<vmem>>, vector<16xf32>,
      %get3A_257 = arith.constant 560 : index
      %get3A_258 = tpu.vector_load %arg9[%get3A_257] {strides = array<i32>} : memref<800xi32, #tpu.memory_space<vmem>>, vector<16xi32>,
      %gather3A_259 = tpu.vector_load_idx %arg5[%get3A_258] : memref<16xf32, #tpu.memory_space<vmem>>[vector<16xi32>], vector<16xf32>,
      %swap3A_260 = arith.constant 560 : index
      %swap3A_261 = tpu.vector_load %arg13[%swap3A_260] {strides = array<i32>} : memref<800xf32, #tpu.memory_space<vmem>>, vector<16xf32>,
      tpu.vector_store %arg13[%swap3A_260], %gather3A_259 {strides = array<i32>} : memref<800xf32, #tpu.memory_space<vmem>>, vector<16xf32>,
      %get3A_262 = arith.constant 576 : index
      %get3A_263 = tpu.vector_load %arg9[%get3A_262] {strides = array<i32>} : memref<800xi32, #tpu.memory_space<vmem>>, vector<16xi32>,
      %gather3A_264 = tpu.vector_load_idx %arg5[%get3A_263] : memref<16xf32, #tpu.memory_space<vmem>>[vector<16xi32>], vector<16xf32>,
      %swap3A_265 = arith.constant 576 : index
      %swap3A_266 = tpu.vector_load %arg13[%swap3A_265] {strides = array<i32>} : memref<800xf32, #tpu.memory_space<vmem>>, vector<16xf32>,
      tpu.vector_store %arg13[%swap3A_265], %gather3A_264 {strides = array<i32>} : memref<800xf32, #tpu.memory_space<vmem>>, vector<16xf32>,
      %get3A_267 = arith.constant 592 : index
      %get3A_268 = tpu.vector_load %arg9[%get3A_267] {strides = array<i32>} : memref<800xi32, #tpu.memory_space<vmem>>, vector<16xi32>,
      %gather3A_269 = tpu.vector_load_idx %arg5[%get3A_268] : memref<16xf32, #tpu.memory_space<vmem>>[vector<16xi32>], vector<16xf32>,
      %swap3A_270 = arith.constant 592 : index
      %swap3A_271 = tpu.vector_load %arg13[%swap3A_270] {strides = array<i32>} : memref<800xf32, #tpu.memory_space<vmem>>, vector<16xf32>,
      tpu.vector_store %arg13[%swap3A_270], %gather3A_269 {strides = array<i32>} : memref<800xf32, #tpu.memory_space<vmem>>, vector<16xf32>,
      %get3A_272 = arith.constant 608 : index
      %get3A_273 = tpu.vector_load %arg9[%get3A_272] {strides = array<i32>} : memref<800xi32, #tpu.memory_space<vmem>>, vector<16xi32>,
      %gather3A_274 = tpu.vector_load_idx %arg5[%get3A_273] : memref<16xf32, #tpu.memory_space<vmem>>[vector<16xi32>], vector<16xf32>,
      %swap3A_275 = arith.constant 608 : index
      %swap3A_276 = tpu.vector_load %arg13[%swap3A_275] {strides = array<i32>} : memref<800xf32, #tpu.memory_space<vmem>>, vector<16xf32>,
      tpu.vector_store %arg13[%swap3A_275], %gather3A_274 {strides = array<i32>} : memref<800xf32, #tpu.memory_space<vmem>>, vector<16xf32>,
      %get3A_277 = arith.constant 624 : index
      %get3A_278 = tpu.vector_load %arg9[%get3A_277] {strides = array<i32>} : memref<800xi32, #tpu.memory_space<vmem>>, vector<16xi32>,
      %gather3A_279 = tpu.vector_load_idx %arg5[%get3A_278] : memref<16xf32, #tpu.memory_space<vmem>>[vector<16xi32>], vector<16xf32>,
      %swap3A_280 = arith.constant 624 : index
      %swap3A_281 = tpu.vector_load %arg13[%swap3A_280] {strides = array<i32>} : memref<800xf32, #tpu.memory_space<vmem>>, vector<16xf32>,
      tpu.vector_store %arg13[%swap3A_280], %gather3A_279 {strides = array<i32>} : memref<800xf32, #tpu.memory_space<vmem>>, vector<16xf32>,
      %get3A_282 = arith.constant 640 : index
      %get3A_283 = tpu.vector_load %arg9[%get3A_282] {strides = array<i32>} : memref<800xi32, #tpu.memory_space<vmem>>, vector<16xi32>,
      %gather3A_284 = tpu.vector_load_idx %arg5[%get3A_283] : memref<16xf32, #tpu.memory_space<vmem>>[vector<16xi32>], vector<16xf32>,
      %swap3A_285 = arith.constant 640 : index
      %swap3A_286 = tpu.vector_load %arg13[%swap3A_285] {strides = array<i32>} : memref<800xf32, #tpu.memory_space<vmem>>, vector<16xf32>,
      tpu.vector_store %arg13[%swap3A_285], %gather3A_284 {strides = array<i32>} : memref<800xf32, #tpu.memory_space<vmem>>, vector<16xf32>,
      %get3A_287 = arith.constant 656 : index
      %get3A_288 = tpu.vector_load %arg9[%get3A_287] {strides = array<i32>} : memref<800xi32, #tpu.memory_space<vmem>>, vector<16xi32>,
      %gather3A_289 = tpu.vector_load_idx %arg5[%get3A_288] : memref<16xf32, #tpu.memory_space<vmem>>[vector<16xi32>], vector<16xf32>,
      %swap3A_290 = arith.constant 656 : index
      %swap3A_291 = tpu.vector_load %arg13[%swap3A_290] {strides = array<i32>} : memref<800xf32, #tpu.memory_space<vmem>>, vector<16xf32>,
      tpu.vector_store %arg13[%swap3A_290], %gather3A_289 {strides = array<i32>} : memref<800xf32, #tpu.memory_space<vmem>>, vector<16xf32>,
      %get3A_292 = arith.constant 672 : index
      %get3A_293 = tpu.vector_load %arg9[%get3A_292] {strides = array<i32>} : memref<800xi32, #tpu.memory_space<vmem>>, vector<16xi32>,
      %gather3A_294 = tpu.vector_load_idx %arg5[%get3A_293] : memref<16xf32, #tpu.memory_space<vmem>>[vector<16xi32>], vector<16xf32>,
      %swap3A_295 = arith.constant 672 : index
      %swap3A_296 = tpu.vector_load %arg13[%swap3A_295] {strides = array<i32>} : memref<800xf32, #tpu.memory_space<vmem>>, vector<16xf32>,
      tpu.vector_store %arg13[%swap3A_295], %gather3A_294 {strides = array<i32>} : memref<800xf32, #tpu.memory_space<vmem>>, vector<16xf32>,
      %get3A_297 = arith.constant 688 : index
      %get3A_298 = tpu.vector_load %arg9[%get3A_297] {strides = array<i32>} : memref<800xi32, #tpu.memory_space<vmem>>, vector<16xi32>,
      %gather3A_299 = tpu.vector_load_idx %arg5[%get3A_298] : memref<16xf32, #tpu.memory_space<vmem>>[vector<16xi32>], vector<16xf32>,
      %swap3A_300 = arith.constant 688 : index
      %swap3A_301 = tpu.vector_load %arg13[%swap3A_300] {strides = array<i32>} : memref<800xf32, #tpu.memory_space<vmem>>, vector<16xf32>,
      tpu.vector_store %arg13[%swap3A_300], %gather3A_299 {strides = array<i32>} : memref<800xf32, #tpu.memory_space<vmem>>, vector<16xf32>,
      %get3A_302 = arith.constant 704 : index
      %get3A_303 = tpu.vector_load %arg9[%get3A_302] {strides = array<i32>} : memref<800xi32, #tpu.memory_space<vmem>>, vector<16xi32>,
      %gather3A_304 = tpu.vector_load_idx %arg5[%get3A_303] : memref<16xf32, #tpu.memory_space<vmem>>[vector<16xi32>], vector<16xf32>,
      %swap3A_305 = arith.constant 704 : index
      %swap3A_306 = tpu.vector_load %arg13[%swap3A_305] {strides = array<i32>} : memref<800xf32, #tpu.memory_space<vmem>>, vector<16xf32>,
      tpu.vector_store %arg13[%swap3A_305], %gather3A_304 {strides = array<i32>} : memref<800xf32, #tpu.memory_space<vmem>>, vector<16xf32>,
      %get3A_307 = arith.constant 720 : index
      %get3A_308 = tpu.vector_load %arg9[%get3A_307] {strides = array<i32>} : memref<800xi32, #tpu.memory_space<vmem>>, vector<16xi32>,
      %gather3A_309 = tpu.vector_load_idx %arg5[%get3A_308] : memref<16xf32, #tpu.memory_space<vmem>>[vector<16xi32>], vector<16xf32>,
      %swap3A_310 = arith.constant 720 : index
      %swap3A_311 = tpu.vector_load %arg13[%swap3A_310] {strides = array<i32>} : memref<800xf32, #tpu.memory_space<vmem>>, vector<16xf32>,
      tpu.vector_store %arg13[%swap3A_310], %gather3A_309 {strides = array<i32>} : memref<800xf32, #tpu.memory_space<vmem>>, vector<16xf32>,
      %get3A_312 = arith.constant 736 : index
      %get3A_313 = tpu.vector_load %arg9[%get3A_312] {strides = array<i32>} : memref<800xi32, #tpu.memory_space<vmem>>, vector<16xi32>,
      %gather3A_314 = tpu.vector_load_idx %arg5[%get3A_313] : memref<16xf32, #tpu.memory_space<vmem>>[vector<16xi32>], vector<16xf32>,
      %swap3A_315 = arith.constant 736 : index
      %swap3A_316 = tpu.vector_load %arg13[%swap3A_315] {strides = array<i32>} : memref<800xf32, #tpu.memory_space<vmem>>, vector<16xf32>,
      tpu.vector_store %arg13[%swap3A_315], %gather3A_314 {strides = array<i32>} : memref<800xf32, #tpu.memory_space<vmem>>, vector<16xf32>,
      %get3A_317 = arith.constant 752 : index
      %get3A_318 = tpu.vector_load %arg9[%get3A_317] {strides = array<i32>} : memref<800xi32, #tpu.memory_space<vmem>>, vector<16xi32>,
      %gather3A_319 = tpu.vector_load_idx %arg5[%get3A_318] : memref<16xf32, #tpu.memory_space<vmem>>[vector<16xi32>], vector<16xf32>,
      %swap3A_320 = arith.constant 752 : index
      %swap3A_321 = tpu.vector_load %arg13[%swap3A_320] {strides = array<i32>} : memref<800xf32, #tpu.memory_space<vmem>>, vector<16xf32>,
      tpu.vector_store %arg13[%swap3A_320], %gather3A_319 {strides = array<i32>} : memref<800xf32, #tpu.memory_space<vmem>>, vector<16xf32>,
      %get3A_322 = arith.constant 768 : index
      %get3A_323 = tpu.vector_load %arg9[%get3A_322] {strides = array<i32>} : memref<800xi32, #tpu.memory_space<vmem>>, vector<16xi32>,
      %gather3A_324 = tpu.vector_load_idx %arg5[%get3A_323] : memref<16xf32, #tpu.memory_space<vmem>>[vector<16xi32>], vector<16xf32>,
      %swap3A_325 = arith.constant 768 : index
      %swap3A_326 = tpu.vector_load %arg13[%swap3A_325] {strides = array<i32>} : memref<800xf32, #tpu.memory_space<vmem>>, vector<16xf32>,
      tpu.vector_store %arg13[%swap3A_325], %gather3A_324 {strides = array<i32>} : memref<800xf32, #tpu.memory_space<vmem>>, vector<16xf32>,
      %get3A_327 = arith.constant 784 : index
      %get3A_328 = tpu.vector_load %arg9[%get3A_327] {strides = array<i32>} : memref<800xi32, #tpu.memory_space<vmem>>, vector<16xi32>,
      %gather3A_329 = tpu.vector_load_idx %arg5[%get3A_328] : memref<16xf32, #tpu.memory_space<vmem>>[vector<16xi32>], vector<16xf32>,
      %swap3A_330 = arith.constant 784 : index
      %swap3A_331 = tpu.vector_load %arg13[%swap3A_330] {strides = array<i32>} : memref<800xf32, #tpu.memory_space<vmem>>, vector<16xf32>,
      tpu.vector_store %arg13[%swap3A_330], %gather3A_329 {strides = array<i32>} : memref<800xf32, #tpu.memory_space<vmem>>, vector<16xf32>,
      %mul3A_332 = arith.constant 800 : i32
      %mul3A_333 = arith.muli %add3A_48, %mul3A_332 : i32
      %dma_start3A = tpu.memref_slice %arg4[%mul3A_333] : memref<100000xf32, #tpu.memory_space<hbm>> -> memref<800xf32, #tpu.memory_space<hbm>>
      %dma_start3A_334 = tpu.memref_slice %arg4[%mul3A_333] : memref<100000xf32, #tpu.memory_space<hbm>> -> memref<800xf32, #tpu.memory_space<hbm>>
      tpu.enqueue_dma source(%arg13 : memref<800xf32, #tpu.memory_space<vmem>>) target(%dma_start3A_334 : memref<800xf32, #tpu.memory_space<hbm>>) target_semaphore(%arg21 : memref<!tpu.dma_semaphore, #tpu.memory_space<semaphore_mem>>)
    } else {
    }
    %add3A_54 = arith.constant 0 : i32
    %add3A_55 = arith.addi %add3A, %add3A_54 : i32
    %lt3A_56 = arith.constant 125 : i32
    %lt3A_57 = arith.cmpi slt, %add3A_55, %lt3A_56 : i32
    %convert_element_type3A_58 = arith.extui %lt3A_57 : i1 to i32
    %cond3A_59 = arith.constant 0 : i32
    %cond3A_60 = arith.cmpi ne, %convert_element_type3A_58, %cond3A_59 : i32
    scf.if %cond3A_60 {
      %mul3A_82 = arith.constant 800 : i32
      %mul3A_83 = arith.muli %add3A_55, %mul3A_82 : i32
      %dma_wait3A = tpu.memref_slice %arg4[%mul3A_83] : memref<100000xf32, #tpu.memory_space<hbm>> -> memref<800xf32, #tpu.memory_space<hbm>>
      %dma_wait3A_84 = tpu.memref_slice %arg4[%mul3A_83] : memref<100000xf32, #tpu.memory_space<hbm>> -> memref<800xf32, #tpu.memory_space<hbm>>
      tpu.wait_dma2 semaphore(%arg18 : memref<!tpu.dma_semaphore, #tpu.memory_space<semaphore_mem>>) src(%arg10 : memref<800xf32, #tpu.memory_space<vmem>>) dst(%dma_wait3A_84 : memref<800xf32, #tpu.memory_space<hbm>>)
    } else {
    }
    %add3A_61 = arith.constant 32 : i32
    %add3A_62 = arith.addi %add3A, %add3A_61 : i32
    %lt3A_63 = arith.constant 125 : i32
    %lt3A_64 = arith.cmpi slt, %add3A_62, %lt3A_63 : i32
    %convert_element_type3A_65 = arith.extui %lt3A_64 : i1 to i32
    %cond3A_66 = arith.constant 0 : i32
    %cond3A_67 = arith.cmpi ne, %convert_element_type3A_65, %cond3A_66 : i32
    scf.if %cond3A_67 {
      %mul3A_82 = arith.constant 800 : i32
      %mul3A_83 = arith.muli %add3A_62, %mul3A_82 : i32
      %dma_wait3A = tpu.memref_slice %arg4[%mul3A_83] : memref<100000xf32, #tpu.memory_space<hbm>> -> memref<800xf32, #tpu.memory_space<hbm>>
      %dma_wait3A_84 = tpu.memref_slice %arg4[%mul3A_83] : memref<100000xf32, #tpu.memory_space<hbm>> -> memref<800xf32, #tpu.memory_space<hbm>>
      tpu.wait_dma2 semaphore(%arg19 : memref<!tpu.dma_semaphore, #tpu.memory_space<semaphore_mem>>) src(%arg11 : memref<800xf32, #tpu.memory_space<vmem>>) dst(%dma_wait3A_84 : memref<800xf32, #tpu.memory_space<hbm>>)
    } else {
    }
    %add3A_68 = arith.constant 64 : i32
    %add3A_69 = arith.addi %add3A, %add3A_68 : i32
    %lt3A_70 = arith.constant 125 : i32
    %lt3A_71 = arith.cmpi slt, %add3A_69, %lt3A_70 : i32
    %convert_element_type3A_72 = arith.extui %lt3A_71 : i1 to i32
    %cond3A_73 = arith.constant 0 : i32
    %cond3A_74 = arith.cmpi ne, %convert_element_type3A_72, %cond3A_73 : i32
    scf.if %cond3A_74 {
      %mul3A_82 = arith.constant 800 : i32
      %mul3A_83 = arith.muli %add3A_69, %mul3A_82 : i32
      %dma_wait3A = tpu.memref_slice %arg4[%mul3A_83] : memref<100000xf32, #tpu.memory_space<hbm>> -> memref<800xf32, #tpu.memory_space<hbm>>
      %dma_wait3A_84 = tpu.memref_slice %arg4[%mul3A_83] : memref<100000xf32, #tpu.memory_space<hbm>> -> memref<800xf32, #tpu.memory_space<hbm>>
      tpu.wait_dma2 semaphore(%arg20 : memref<!tpu.dma_semaphore, #tpu.memory_space<semaphore_mem>>) src(%arg12 : memref<800xf32, #tpu.memory_space<vmem>>) dst(%dma_wait3A_84 : memref<800xf32, #tpu.memory_space<hbm>>)
    } else {
    }
    %add3A_75 = arith.constant 96 : i32
    %add3A_76 = arith.addi %add3A, %add3A_75 : i32
    %lt3A_77 = arith.constant 125 : i32
    %lt3A_78 = arith.cmpi slt, %add3A_76, %lt3A_77 : i32
    %convert_element_type3A_79 = arith.extui %lt3A_78 : i1 to i32
    %cond3A_80 = arith.constant 0 : i32
    %cond3A_81 = arith.cmpi ne, %convert_element_type3A_79, %cond3A_80 : i32
    scf.if %cond3A_81 {
      %mul3A_82 = arith.constant 800 : i32
      %mul3A_83 = arith.muli %add3A_76, %mul3A_82 : i32
      %dma_wait3A = tpu.memref_slice %arg4[%mul3A_83] : memref<100000xf32, #tpu.memory_space<hbm>> -> memref<800xf32, #tpu.memory_space<hbm>>
      %dma_wait3A_84 = tpu.memref_slice %arg4[%mul3A_83] : memref<100000xf32, #tpu.memory_space<hbm>> -> memref<800xf32, #tpu.memory_space<hbm>>
      tpu.wait_dma2 semaphore(%arg21 : memref<!tpu.dma_semaphore, #tpu.memory_space<semaphore_mem>>) src(%arg13 : memref<800xf32, #tpu.memory_space<vmem>>) dst(%dma_wait3A_84 : memref<800xf32, #tpu.memory_space<hbm>>)
    } else {
    }
    return
  }
}

module attributes {stable_mosaic.version = 14 : i64} {
  func.func @_tc_scale_body(%arg0: i32, %arg1: memref<4x1xf32, #tpu.memory_space<smem>>, %arg2: memref<2000x1xi32, #tpu.memory_space<vmem>>, %arg3: memref<2000x256xf32, #tpu.memory_space<vmem>>, %arg4: memref<2000x256xf32, #tpu.memory_space<vmem>>) attributes {dimension_semantics = [#tpu.dimension_semantics<arbitrary>], iteration_bounds = array<i64: 50>, scalar_prefetch = 0 : i64, scratch_operands = 0 : i64, tpu.core_type = #tpu.core_type<tc>, window_params = [{transform_indices = @transform_0, window_bounds = array<i64: 4, 1>}, {transform_indices = @transform_1, window_bounds = array<i64: 2000, 1>}, {transform_indices = @transform_2, window_bounds = array<i64: 2000, 256>}, {transform_indices = @transform_3, window_bounds = array<i64: 2000, 256>}]} {
    %get3A = arith.constant 0 : index
    %get3A_0 = arith.constant 0 : index
    %get3A_1 = vector.load %arg2[%get3A, %get3A_0] : memref<2000x1xi32, #tpu.memory_space<vmem>>, vector<2000x1xi32>
    %get3A_2 = arith.constant 0 : index
    %get3A_3 = arith.constant 0 : index
    %get3A_4 = memref.load %arg1[%get3A_2, %get3A_3] : memref<4x1xf32, #tpu.memory_space<smem>>
    %get3A_5 = arith.constant 1 : index
    %get3A_6 = arith.constant 0 : index
    %get3A_7 = memref.load %arg1[%get3A_5, %get3A_6] : memref<4x1xf32, #tpu.memory_space<smem>>
    %get3A_8 = arith.constant 2 : index
    %get3A_9 = arith.constant 0 : index
    %get3A_10 = memref.load %arg1[%get3A_8, %get3A_9] : memref<4x1xf32, #tpu.memory_space<smem>>
    %get3A_11 = arith.constant 3 : index
    %get3A_12 = arith.constant 0 : index
    %get3A_13 = memref.load %arg1[%get3A_11, %get3A_12] : memref<4x1xf32, #tpu.memory_space<smem>>
    %eq3A = arith.constant 0 : i32
    %eq3A_14 = vector.broadcast %eq3A : i32 to vector<2000x1xi32>
    %eq3A_15 = arith.cmpi eq, %get3A_1, %eq3A_14 : vector<2000x1xi32>
    %eq3A_16 = arith.constant 1 : i32
    %eq3A_17 = vector.broadcast %eq3A_16 : i32 to vector<2000x1xi32>
    %eq3A_18 = arith.cmpi eq, %get3A_1, %eq3A_17 : vector<2000x1xi32>
    %eq3A_19 = arith.constant 2 : i32
    %eq3A_20 = vector.broadcast %eq3A_19 : i32 to vector<2000x1xi32>
    %eq3A_21 = arith.cmpi eq, %get3A_1, %eq3A_20 : vector<2000x1xi32>
    %broadcast_in_dim3A = vector.broadcast %get3A_10 : f32 to vector<2000x1xf32>
    %broadcast_in_dim3A_22 = vector.broadcast %get3A_13 : f32 to vector<2000x1xf32>
    %select_n3A = arith.select %eq3A_21, %broadcast_in_dim3A, %broadcast_in_dim3A_22 : vector<2000x1xi1>, vector<2000x1xf32>
    %broadcast_in_dim3A_23 = vector.broadcast %get3A_7 : f32 to vector<2000x1xf32>
    %select_n3A_24 = arith.select %eq3A_18, %broadcast_in_dim3A_23, %select_n3A : vector<2000x1xi1>, vector<2000x1xf32>
    %broadcast_in_dim3A_25 = vector.broadcast %get3A_4 : f32 to vector<2000x1xf32>
    %select_n3A_26 = arith.select %eq3A_15, %broadcast_in_dim3A_25, %select_n3A_24 : vector<2000x1xi1>, vector<2000x1xf32>
    %get3A_27 = arith.constant 0 : index
    %get3A_28 = arith.constant 0 : index
    %get3A_29 = vector.load %arg3[%get3A_27, %get3A_28] : memref<2000x256xf32, #tpu.memory_space<vmem>>, vector<2000x256xf32>
    %mul3A = vector.broadcast %select_n3A_26 : vector<2000x1xf32> to vector<2000x256xf32>
    %mul3A_30 = arith.mulf %get3A_29, %mul3A : vector<2000x256xf32>
    %swap3A = arith.constant 0 : index
    %swap3A_31 = arith.constant 0 : index
    %swap3A_32 = vector.load %arg4[%swap3A, %swap3A_31] : memref<2000x256xf32, #tpu.memory_space<vmem>>, vector<2000x256xf32>
    tpu.vector_store %arg4[%swap3A, %swap3A_31], %mul3A_30 {strides = array<i32>} : memref<2000x256xf32, #tpu.memory_space<vmem>>, vector<2000x256xf32>,
    return
  }
  func.func @transform_0(%arg0: i32) -> (i32, i32) {
    %c0_i32 = arith.constant 0 : i32
    %c0_i32_0 = arith.constant 0 : i32
    %c0_i32_1 = arith.constant 0 : i32
    return %c0_i32, %c0_i32_0 : i32, i32
  }
  func.func @transform_1(%arg0: i32) -> (i32, i32) {
    %c0_i32 = arith.constant 0 : i32
    %c0_i32_0 = arith.constant 0 : i32
    return %arg0, %c0_i32 : i32, i32
  }
  func.func @transform_2(%arg0: i32) -> (i32, i32) {
    %c0_i32 = arith.constant 0 : i32
    %c0_i32_0 = arith.constant 0 : i32
    return %arg0, %c0_i32 : i32, i32
  }
  func.func @transform_3(%arg0: i32) -> (i32, i32) {
    %c0_i32 = arith.constant 0 : i32
    %c0_i32_0 = arith.constant 0 : i32
    return %arg0, %c0_i32 : i32, i32
  }
}

</mosaic_0001>

<sc_bundles>
// kernel: kernel.4.cloned.1.call-start
scs
__scs_entry_jumppad:
0x0: {  	(pc) =	sbr.rel $0x88, $3  }
0x1: {  	(tag) =	ssettag $0x0;
	lr =	simm.s32 $0x1  }
0x2: {  	[smem:$0x3F9E] =	sst lr;
	_ =	strace $0xD0000000  }
0x3: {  	_ = 	snop  }
0x4: {  	_ = 	snop  }
0x5: {  	_ = 	snop  }
0x6: {  	_ = 	snop  }
0x7: {  	_ = 	snop  }
__scs_overlays_trampoline_lowered:
0x8: {  	[smem:$0x3FAD] =	sst s0  }
0x9: {  	[smem:$0x3FAE] =	sst s1  }
0xa: {  	[smem:$0x3FAF] =	sst s2  }
0xb: {  	[smem:$0x3FB0] =	sst s3  }
0xc: {  	[smem:$0x3FB1] =	sst s4  }
0xd: {  	[smem:$0x3FB2] =	sst s5  }
0xe: {  	[smem:$0x3FB3] =	sst s6  }
0xf: {  	[smem:$0x3FB4] =	sst s7  }
0x10: {  	[smem:$0x3FB5] =	sst s8  }
0x11: {  	[smem:$0x3FB6] =	sst s9;
	s0 =	simm.s32 @!p0 $0x0  }
0x12: {  	s1 =	sld [smem:$0x3F9C];
	s0 =	simm.s32 @p0 $0x1  }
0x13: {  	[smem:$0x3FB7] =	sst s0;
	s0 =	simm.s32 @!p1 $0x0  }
0x14: {  	s2 =	sld [smem:$0x3F9B];
	s0 =	simm.s32 @p1 $0x1  }
0x15: {  	[smem:$0x3FB8] =	sst s0;
	s0 =	simm.s32 @!p2 $0x0  }
0x16: {  	s3 =	sld [smem:$0x3FDB];
	s0 =	simm.s32 @p2 $0x1  }
0x17: {  	s4 =	simm.s32 $0x1BF5;
	[smem:$0x3FBA] =	sst s0  }
0x18: {  	s0 =	sld [smem:$0x3F9D];
	_ =	swait.ge [sflag:s4], $0x0  }
0x19: {  	s7 =	sld [smem:$0x3F9E]  }
0x1a: {  	s8 =	sadd.s32 $0xFFFFE003, lr  }
0x1b: {  	s9 =	sadd.s32 $0xFFFFFEF7, lr;
	s5 =	simm.s32 $0xFFFFFFFF;
	p2 =	slt.u32 s8, $0xFFFFF086  }
0x1c: {  	p1 =	slt.u32 s9, $0xF7A;
	s5 =	simm.s32 @!p2 $0x0  }
0x1d: {  	s5 =	simm.s32 @p1 $0x1;
	p0 =	seq.s32 s7, s2  }
0x1e: {  	s7 =	smul.u32 @!p0 $0xF7A, s2;
	p2 =	seq.s32 @!p0 s5, $0x0  }
0x1f: {  	s9 =	smul.u32 $0xF7A, s1;
	s8 =	simm.s32 @!p0 $0x1BF5;
	p2 =	por !p2, p0  }
0x20: {  	[sflag:s8] =	ssyncset.s32 @!p0 $0xFFFFF086;
	s6 =	sadd.s32 @!p0 s3, s7;
	s7 =	simm.s32 @!p0 $0x108  }
0x21: {  	s3 =	sadd.s32 s3, s9;
	s6 =	sadd.s32 @!p0 $0x88, s6;
	s7 =	simm.s32 @p2 $0x1082  }
0x22: {  	[simem:s7], [sflag:s8] =	dma.local @!p0 [hbm:s6], $0xF7A  }
0x23: {  	s9 =	sor.u32 $0xD0000000, s2;
	s6 =	simm.s32 $0x108;
	_ =	swait.ge @!p0 [sflag:s8], $0x0  }
0x24: {  	s3 =	sadd.s32 $0x88, s3;
	s6 =	simm.s32 @!p1 $0x1082;
	[sflag:s4] =	ssyncset.s32 $0xFFFFF086  }
0x25: {  	[simem:s6], [sflag:s4] =	dma.local [hbm:s3], $0xF7A  }
0x26: {  	[smem:$0x3F9E] =	sst s1;
	(tag) =	ssettag s2;
	_ =	strace s9  }
0x27: {  	s1 =	sld [smem:$0x3FAE]  }
0x28: {  	s2 =	sld [smem:$0x3FAF]  }
0x29: {  	s4 =	sld [smem:$0x3FB1]  }
0x2a: {  	p0 =	seq.s32 s5, $0x0;
	s5 =	sld [smem:$0x3FB2]  }
0x2b: {  	s6 =	sld [smem:$0x3FB3]  }
0x2c: {  	s7 =	sld [smem:$0x3FB4]  }
0x2d: {  	s3 =	simm.s32 $0x108;
	s8 =	sld [smem:$0x3FB5]  }
0x2e: {  	s3 =	simm.s32 @!p0 $0x1082;
	s9 =	sld [smem:$0x3FB6]  }
0x2f: {  	lr =	sadd.s32 s0, s3;
	s0 =	sld [smem:$0x3FAD]  }
0x30: {  	s3 =	sld [smem:$0x3FB0]  }
0x31: {  	[smem:$0x3FB9] =	sst s10  }
0x32: {  	s10 =	sld [smem:$0x3FB7];
	_ =	sdelay $0x3  }
0x33: {  	p0 =	seq.s32 s10, $0x1;
	s10 =	sld [smem:$0x3FB9];
	_ =	sdelay $0x3  }
0x34: {  	[smem:$0x3FB9] =	sst s10  }
0x35: {  	s10 =	sld [smem:$0x3FB8];
	_ =	sdelay $0x3  }
0x36: {  	p1 =	seq.s32 s10, $0x1;
	s10 =	sld [smem:$0x3FB9];
	_ =	sdelay $0x3  }
0x37: {  	[smem:$0x3FB9] =	sst s10  }
0x38: {  	s10 =	sld [smem:$0x3FBA]  }
0x39: {  	_ = 	snop;
	(pc) =	sbr.ind lr, $3  }
0x3a: {  	_ = 	snop  }
0x3b: {  	_ = 	snop  }
0x3c: {  	p2 =	seq.s32 s10, $0x1;
	s10 =	sld [smem:$0x3FB9]  }
0x3d: {  	_ =	shalt  }
0x3e: {  	_ =	shalt  }
0x3f: {  	_ =	shalt  }
0x40: {  	_ =	shalt  }
0x41: {  	_ =	shalt  }
0x42: {  	_ =	shalt  }
0x43: {  	_ =	shalt  }
0x44: {  	_ =	shalt  }
0x45: {  	_ =	shalt  }
0x46: {  	_ =	shalt  }
0x47: {  	_ =	shalt  }
0x48: {  	_ =	shalt  }
0x49: {  	_ =	shalt  }
0x4a: {  	_ =	shalt  }
0x4b: {  	_ =	shalt  }
0x4c: {  	_ =	shalt  }
0x4d: {  	_ =	shalt  }
0x4e: {  	_ =	shalt  }
0x4f: {  	_ =	shalt  }
0x50: {  	_ =	shalt  }
0x51: {  	_ =	shalt  }
0x52: {  	_ =	shalt  }
0x53: {  	_ =	shalt  }
0x54: {  	_ =	shalt  }
0x55: {  	_ =	shalt  }
0x56: {  	_ =	shalt  }
0x57: {  	_ =	shalt  }
0x58: {  	_ =	shalt  }
0x59: {  	_ =	shalt  }
0x5a: {  	_ =	shalt  }
0x5b: {  	_ =	shalt  }
0x5c: {  	_ =	shalt  }
0x5d: {  	_ =	shalt  }
0x5e: {  	_ =	shalt  }
0x5f: {  	_ =	shalt  }
0x60: {  	_ =	shalt  }
0x61: {  	_ =	shalt  }
0x62: {  	_ =	shalt  }
0x63: {  	_ =	shalt  }
0x64: {  	_ =	shalt  }
0x65: {  	_ =	shalt  }
0x66: {  	_ =	shalt  }
0x67: {  	_ =	shalt  }
0x68: {  	_ =	shalt  }
0x69: {  	_ =	shalt  }
0x6a: {  	_ =	shalt  }
0x6b: {  	_ =	shalt  }
0x6c: {  	_ =	shalt  }
0x6d: {  	_ =	shalt  }
0x6e: {  	_ =	shalt  }
0x6f: {  	_ =	shalt  }
0x70: {  	_ =	shalt  }
0x71: {  	_ =	shalt  }
0x72: {  	_ =	shalt  }
0x73: {  	_ =	shalt  }
0x74: {  	_ =	shalt  }
0x75: {  	_ =	shalt  }
0x76: {  	_ =	shalt  }
0x77: {  	_ =	shalt  }
0x78: {  	_ =	shalt  }
0x79: {  	_ =	shalt  }
0x7a: {  	_ =	shalt  }
0x7b: {  	_ =	shalt  }
0x7c: {  	_ =	shalt  }
0x7d: {  	_ =	shalt  }
0x7e: {  	_ =	shalt  }
0x7f: {  	_ =	shalt  }
0x80: {  	_ =	shalt  }
0x81: {  	_ =	shalt  }
0x82: {  	_ =	shalt  }
0x83: {  	_ =	shalt  }
0x84: {  	_ =	shalt  }
0x85: {  	_ =	shalt  }
0x86: {  	_ =	shalt  }
0x87: {  	_ =	shalt  }
.Lfunc_end0:
.L_simem_size_0:
called_computation_lowered:
.L_overlay_start_0:
0x88: {  	s2 =	sld [smem:$0x3FD9]  }
0x89: {  	s3 =	sld [smem:$0x3FFE];
	_ =	sdelay $0x1  }
0x8a: {  	s1 =	srdreg.scid  }
0x8b: {  	s0 =	sand.u32 $0x1, s1  }
0x8c: {  	s14 =	sshll.u32 s0, $0xA;
	s2 =	sadd.s32 s3, s2  }
0x8d: {  	s2 =	sadd.s32 s2, s14  }
0x8e: {  	[smem:$0x3FC5] =	sst s2  }
0x8f: {  	_ = 	snop  }
0x90: {  	s2 =	sld [smem:$0x3FD0];
	_ =	sdelay $0x2  }
0x91: {  	s4 =	simm.s32 $0xA;
	s5 =	simm.s32 $0x10;
	s15 =	sld [smem:$0x3FC8]  }
0x92: {  	[smem:s5], [sflag:s4] =	dma.local [hbm:s2], $0x1  }
0x93: {  	_ =	swait.eq [sflag:s4], $0x1  }
0x94: {  	[sflag:s4] =	ssyncset.done $0x0  }
0x95: {  	[sflag:s4] =	ssyncadd.s32 $0xFFFFFFFF  }
0x96: {  	s16 =	sld [smem:$0x11];
	(tm) =	ssettm $0x1  }
0x97: {  	s17 =	sld [smem:$0x3FFB];
	_ =	sdelay $0x3  }
0x98: {  	_ =	strace s17  }
0x99: {  	s4 =	sld [smem:$0x3FFC];
	_ =	sdelay $0x3  }
0x9a: {  	_ =	strace s4  }
0x9b: {  	s4 =	sld [smem:$0x3FFD];
	_ =	sdelay $0x3  }
0x9c: {  	_ =	strace s4  }
0x9d: {  	_ =	strace $0x8FFFFFFF  }
0x9e: {  	s18 =	sld [smem:$0x3FDB];
	_ =	sdelay $0x1  }
0x9f: {  	s19 =	simm.s32 $_scs_section_size  }
0xa0: {  	s6 =	simm.s32 $_size__tile_overlayer_lowered;
	s7 =	simm.s32 $_tile_overlayer_lowered  }
0xa1: {  	s22 =	simm.s32 $0x1BFF;
	s21 =	sshll.u32 s7, $0x1;
	s4 =	sadd.s32 s19, s18  }
0xa2: {  	s8 =	simm.s32 $0x0;
	s20 =	sshll.u32 s6, $0x1;
	s6 =	sadd.s32 s21, s4  }
0xa3: {  	[timem:s8], [sflag:s22] =	dma.local [hbm:s6], s20  }
0xa4: {  	_ =	swait.ge [sflag:s22], s20  }
0xa5: {  	s5 =	ssub.s32 $0x0, s20;
	[sflag:s22] =	ssyncset.done $0x0  }
0xa6: {  	[sflag:s22] =	ssyncadd.s32 s5;
	_ =	sdelay $0x1  }
0xa7: {  	s23 =	simm.s32 $0x1B8B  }
0xa8: {  	_ =	swait.ge [sflag:s23], $0x1  }
0xa9: {  	[sflag:s23] =	ssyncset.done $0x0  }
0xaa: {  	s25 =	simm.s32 $0x1B8E;
	s24 =	sld [smem:$0x3FFE];
	[sflag:s23] =	ssyncadd.s32 $0xFFFFFFFF  }
0xab: {  	s26 =	simm.s32 $execute0_lowered;
	[smem:$0x3FD2] =	sst s25  }
0xac: {  	s6 =	sshll.u32 s26, $0x1;
	_ =	strace $0x80000046;
	[dreg:$0x1] =	wrdreg $0xFFFFFFFF  }
0xad: {  	s28 =	simm.s32 $_size_execute0_lowered;
	s4 =	sadd.s32 s4, s6;
	[dreg:$0x0] =	wrdreg $0x0  }
0xae: {  	s6 =	sshll.u32 s28, $0x1;
	[dreg:$0x2] =	wrdreg s4  }
0xaf: {  	[dreg:$0x3] =	wrdreg s6  }
0xb0: {  	[dreg:$0x4] =	wrdreg $0xC0  }
0xb1: {  	_ =	task [dreg:s8], $0x5FFFF  }
0xb2: {  	[dreg:$0x1] =	wrdreg $0xFFFFFFFF  }
0xb3: {  	[dreg:$0x0] =	wrdreg $0x60  }
0xb4: {  	[dreg:$0x2] =	wrdreg s15  }
0xb5: {  	[dreg:$0x3] =	wrdreg s16  }
0xb6: {  	[dreg:$0x4] =	wrdreg s24  }
0xb7: {  	[dreg:$0x5] =	wrdreg $0x9  }
0xb8: {  	_ =	task.clear_ibuf [dreg:s8], $0x6FFFF;
	_ =	strace $0x90000046  }
0xb9: {  	s29 =	simm.s32 $0x9;
	_ =	strace $0x80000048  }
0xba: {  	_ =	swait.ge [sflag:s29], $0x1  }
0xbb: {  	[sflag:s29] =	ssyncadd.s32 $0xFFFFFFFF  }
0xbc: {  	_ =	strace $0x90000048  }
0xbd: {  	_ =	sfence  }
0xbe: {  	s30 =	sld [smem:$0x0];
	_ =	sdelay $0x2  }
0xbf: {  	s31 =	sshll.u32 s1, $0xD;
	s1 =	sshrl.u32 s1, $0x2  }
0xc0: {  	s3 =	sand.u32 $0x4000, s31;
	s1 =	sadd.s32 s1, s30  }
0xc1: {  	s0 =	sor.u32 s3, s0;
	s1 =	sshll.u32 s1, $0x11  }
0xc2: {  	s0 =	sor.u32 s1, s0  }
0xc3: {  	s0 =	sadd.s32 $0x8F2B, s0  }
0xc4: {  	[sflag:s0] =	ssyncadd.remote.s32 $0x1  }
0xc5: {  	_ =	sfence.sel $0xFFFF  }
0xc6: {  	[dreg:$0x0] =	wrdreg $0xFFFFFFFF;
	(pc) =	sbr.abs _section_cstart, $3  }
0xc7: {  	[dreg:$0x1] =	wrdreg $0xFFFFFFFF  }
0xc8: {  	_ =	task.clear_ibuf [dreg:s8], $0x2FFFF;
	_ =	strace $0x9FFFFFFF  }
0xc9: {  	(tm) =	ssettm $0x7FFFFFFF  }
tec
execute0_lowered:
.L_overlay_start_1:
0x0: {  	(tag) =	ssettag $0x1  }
0x1: {  	s7 =	rddreg [dreg:$0x0]  }
0x2: {  	s0 =	srdreg.scid;
	s2 =	rddreg [dreg:$0x1]  }
0x3: {  	s5 =	rddreg [dreg:$0x2];
	s1 =	stileid.u32  }
0x4: {  	s3 =	simm.s32 $0x0;
	s15 =	simm.s32 $0x400;
	s16 =	simm.s32 $0x780  }
0x5: {  	s17 =	simm.s32 $0x1;
	s18 =	simm.s32 $0xE80;
	s19 =	simm.s32 $0x2  }
0x6: {  	s20 =	simm.s32 $0x1200;
	s21 =	simm.s32 $0x3;
	s22 =	simm.s32 $0x1580  }
0x7: {  	s23 =	simm.s32 $0x4;
	s4 =	sand.u32 $0x1, s0;
	s0 =	rddreg [dreg:$0x3]  }
0x8: {  	s24 =	simm.s32 $0x1900;
	s25 =	simm.s32 $0x5;
	[smem:$0x7FF] =	sst s3  }
0x9: {  	s11 =	sadd.s32 $0x400, s5;
	s6 =	sshll.u32 s4, $0x4;
	s4 =	ssub.s32 $0x2, s4  }
0xa: {  	_ =	strace $0x80000047;
	s13 =	sor.u32 s1, s6;
	s31 =	sshrl.u32 s4, $0x1  }
0xb: {  	s8 =	smul.u32 $0x64, s13;
	s12 =	ssub.s32 s4, s31;
	p0 =	sgt.u32 s13, $0x1C  }
.Ltmp0:
0xc: {  	s13 =	simm.s32 $0x9;
	s12 =	smax.u32 s12, $0x1;
	(pc) =	sbr.rel .LBB2_1-.Ltmp0, $4  }
0xd: {  	s4 =	sadd.s32 s7, s8;
	s9 =	sadd.s32 $0xC80, s8;
	s10 =	sadd.s32 $0x1900, s8  }
0xe: {  	s14 =	sadd.s32 $0x2580, s8;
	s8 =	sadd.s32 s11, s8;
	s5 =	sadd.s32 s7, s9  }
0xf: {  	s6 =	sadd.s32 s7, s10;
	s7 =	sadd.s32 s7, s14;
	s9 =	sadd.s32 s11, s9  }
0x10: {  	s10 =	sadd.s32 s11, s10;
	s11 =	sadd.s32 s11, s14;
	s14 =	simm.s32 $0x80  }
.LBB2_3:
0x11: {  	_ =	swait.ge [sflag:s23], $0x320  }
0x12: {  	[sflag:s23] =	ssyncset.done $0x0  }
0x13: {  	[sflag:s23] =	ssyncadd.s32 $0xFFFFFCE0  }
0x14: {  	v0 =	vld [tilespmem:$0xB00];
	_ =	sdelay $0x5  }
0x15: {  	v1 =	vld [tilespmem:$0xB10];
	_ =	sdelay $0x1  }
0x16: {  	v0 =	vld.idx.msk [tilespmem:v0+s3+$0x0], $0xffff;
	_ =	sdelay $0x3  }
0x17: {  	v2 =	vld [tilespmem:$0xB20]  }
0x18: {  	[tilespmem:$0x1900] =	vst v0  }
0x19: {  	v0 =	vld.idx.msk [tilespmem:v1+s3+$0x0], $0xffff;
	_ =	sdelay $0x3  }
0x1a: {  	v17 =	vld [tilespmem:$0xB30]  }
0x1b: {  	[tilespmem:$0x1910] =	vst v0  }
0x1c: {  	v0 =	vld.idx.msk [tilespmem:v2+s3+$0x0], $0xffff;
	_ =	sdelay $0x3  }
0x1d: {  	v18 =	vld [tilespmem:$0xB40]  }
0x1e: {  	[tilespmem:$0x1920] =	vst v0  }
0x1f: {  	v0 =	vld.idx.msk [tilespmem:v17+s3+$0x0], $0xffff;
	_ =	sdelay $0x3  }
0x20: {  	v19 =	vld [tilespmem:$0xB50]  }
0x21: {  	[tilespmem:$0x1930] =	vst v0  }
0x22: {  	v0 =	vld.idx.msk [tilespmem:v18+s3+$0x0], $0xffff;
	_ =	sdelay $0x3  }
0x23: {  	v20 =	vld [tilespmem:$0xB60]  }
0x24: {  	[tilespmem:$0x1940] =	vst v0  }
0x25: {  	v0 =	vld.idx.msk [tilespmem:v19+s3+$0x0], $0xffff;
	_ =	sdelay $0x3  }
0x26: {  	v21 =	vld [tilespmem:$0xB70]  }
0x27: {  	[tilespmem:$0x1950] =	vst v0  }
0x28: {  	v0 =	vld.idx.msk [tilespmem:v20+s3+$0x0], $0xffff;
	_ =	sdelay $0x3  }
0x29: {  	v22 =	vld [tilespmem:$0xB80]  }
0x2a: {  	[tilespmem:$0x1960] =	vst v0  }
0x2b: {  	v0 =	vld.idx.msk [tilespmem:v21+s3+$0x0], $0xffff;
	_ =	sdelay $0x3  }
0x2c: {  	v23 =	vld [tilespmem:$0xB90]  }
0x2d: {  	[tilespmem:$0x1970] =	vst v0  }
0x2e: {  	v0 =	vld.idx.msk [tilespmem:v22+s3+$0x0], $0xffff;
	_ =	sdelay $0x3  }
0x2f: {  	v24 =	vld [tilespmem:$0xBA0]  }
0x30: {  	[tilespmem:$0x1980] =	vst v0  }
0x31: {  	v0 =	vld.idx.msk [tilespmem:v23+s3+$0x0], $0xffff;
	_ =	sdelay $0x3  }
0x32: {  	v25 =	vld [tilespmem:$0xBB0]  }
0x33: {  	[tilespmem:$0x1990] =	vst v0  }
0x34: {  	v0 =	vld.idx.msk [tilespmem:v24+s3+$0x0], $0xffff;
	_ =	sdelay $0x3  }
0x35: {  	v26 =	vld [tilespmem:$0xBC0]  }
0x36: {  	[tilespmem:$0x19A0] =	vst v0  }
0x37: {  	v0 =	vld.idx.msk [tilespmem:v25+s3+$0x0], $0xffff;
	_ =	sdelay $0x3  }
0x38: {  	v27 =	vld [tilespmem:$0xBD0]  }
0x39: {  	[tilespmem:$0x19B0] =	vst v0  }
0x3a: {  	v0 =	vld.idx.msk [tilespmem:v26+s3+$0x0], $0xffff;
	_ =	sdelay $0x3  }
0x3b: {  	v28 =	vld [tilespmem:$0xBE0]  }
0x3c: {  	[tilespmem:$0x19C0] =	vst v0  }
0x3d: {  	v0 =	vld.idx.msk [tilespmem:v27+s3+$0x0], $0xffff;
	_ =	sdelay $0x3  }
0x3e: {  	v29 =	vld [tilespmem:$0xBF0]  }
0x3f: {  	[tilespmem:$0x19D0] =	vst v0  }
0x40: {  	v0 =	vld.idx.msk [tilespmem:v28+s3+$0x0], $0xffff;
	_ =	sdelay $0x3  }
0x41: {  	v30 =	vld [tilespmem:$0xC00]  }
0x42: {  	[tilespmem:$0x19E0] =	vst v0  }
0x43: {  	v0 =	vld.idx.msk [tilespmem:v29+s3+$0x0], $0xffff;
	_ =	sdelay $0x3  }
0x44: {  	v31 =	vld [tilespmem:$0xC10]  }
0x45: {  	[tilespmem:$0x19F0] =	vst v0  }
0x46: {  	v0 =	vld.idx.msk [tilespmem:v30+s3+$0x0], $0xffff;
	_ =	sdelay $0x3  }
0x47: {  	v32 =	vld [tilespmem:$0xC20]  }
0x48: {  	[tilespmem:$0x1A00] =	vst v0  }
0x49: {  	v0 =	vld.idx.msk [tilespmem:v31+s3+$0x0], $0xffff;
	_ =	sdelay $0x3  }
0x4a: {  	v33 =	vld [tilespmem:$0xC30]  }
0x4b: {  	[tilespmem:$0x1A10] =	vst v0  }
0x4c: {  	v0 =	vld.idx.msk [tilespmem:v32+s3+$0x0], $0xffff;
	_ =	sdelay $0x3  }
0x4d: {  	v34 =	vld [tilespmem:$0xC40]  }
0x4e: {  	[tilespmem:$0x1A20] =	vst v0  }
0x4f: {  	v0 =	vld.idx.msk [tilespmem:v33+s3+$0x0], $0xffff;
	_ =	sdelay $0x3  }
0x50: {  	v35 =	vld [tilespmem:$0xC50]  }
0x51: {  	[tilespmem:$0x1A30] =	vst v0  }
0x52: {  	v0 =	vld.idx.msk [tilespmem:v34+s3+$0x0], $0xffff;
	_ =	sdelay $0x3  }
0x53: {  	v36 =	vld [tilespmem:$0xC60]  }
0x54: {  	[tilespmem:$0x1A40] =	vst v0  }
0x55: {  	v0 =	vld.idx.msk [tilespmem:v35+s3+$0x0], $0xffff;
	_ =	sdelay $0x3  }
0x56: {  	v37 =	vld [tilespmem:$0xC70]  }
0x57: {  	[tilespmem:$0x1A50] =	vst v0  }
0x58: {  	v0 =	vld.idx.msk [tilespmem:v36+s3+$0x0], $0xffff;
	_ =	sdelay $0x3  }
0x59: {  	v38 =	vld [tilespmem:$0xC80]  }
0x5a: {  	[tilespmem:$0x1A60] =	vst v0  }
0x5b: {  	v0 =	vld.idx.msk [tilespmem:v37+s3+$0x0], $0xffff;
	_ =	sdelay $0x3  }
0x5c: {  	v39 =	vld [tilespmem:$0xC90]  }
0x5d: {  	[tilespmem:$0x1A70] =	vst v0  }
0x5e: {  	v0 =	vld.idx.msk [tilespmem:v38+s3+$0x0], $0xffff;
	_ =	sdelay $0x3  }
0x5f: {  	v40 =	vld [tilespmem:$0xCA0]  }
0x60: {  	[tilespmem:$0x1A80] =	vst v0  }
0x61: {  	v0 =	vld.idx.msk [tilespmem:v39+s3+$0x0], $0xffff;
	_ =	sdelay $0x3  }
0x62: {  	v41 =	vld [tilespmem:$0xCB0]  }
0x63: {  	[tilespmem:$0x1A90] =	vst v0  }
0x64: {  	v0 =	vld.idx.msk [tilespmem:v40+s3+$0x0], $0xffff;
	_ =	sdelay $0x3  }
0x65: {  	v42 =	vld [tilespmem:$0xCC0]  }
0x66: {  	[tilespmem:$0x1AA0] =	vst v0  }
0x67: {  	v0 =	vld.idx.msk [tilespmem:v41+s3+$0x0], $0xffff;
	_ =	sdelay $0x3  }
0x68: {  	v43 =	vld [tilespmem:$0xCD0]  }
0x69: {  	[tilespmem:$0x1AB0] =	vst v0  }
0x6a: {  	v0 =	vld.idx.msk [tilespmem:v42+s3+$0x0], $0xffff;
	_ =	sdelay $0x3  }
0x6b: {  	v44 =	vld [tilespmem:$0xCE0]  }
0x6c: {  	[tilespmem:$0x1AC0] =	vst v0  }
0x6d: {  	v0 =	vld.idx.msk [tilespmem:v43+s3+$0x0], $0xffff;
	_ =	sdelay $0x3  }
0x6e: {  	v45 =	vld [tilespmem:$0xCF0]  }
0x6f: {  	[tilespmem:$0x1AD0] =	vst v0  }
0x70: {  	v0 =	vld.idx.msk [tilespmem:v44+s3+$0x0], $0xffff;
	_ =	sdelay $0x3  }
0x71: {  	v46 =	vld [tilespmem:$0xD00]  }
0x72: {  	[tilespmem:$0x1AE0] =	vst v0  }
0x73: {  	v0 =	vld.idx.msk [tilespmem:v45+s3+$0x0], $0xffff;
	_ =	sdelay $0x3  }
0x74: {  	v47 =	vld [tilespmem:$0xD10]  }
0x75: {  	[tilespmem:$0x1AF0] =	vst v0  }
0x76: {  	v0 =	vld.idx.msk [tilespmem:v46+s3+$0x0], $0xffff;
	_ =	sdelay $0x3  }
0x77: {  	v48 =	vld [tilespmem:$0xD20]  }
0x78: {  	[tilespmem:$0x1B00] =	vst v0  }
0x79: {  	v0 =	vld.idx.msk [tilespmem:v47+s3+$0x0], $0xffff;
	_ =	sdelay $0x3  }
0x7a: {  	v49 =	vld [tilespmem:$0xD30]  }
0x7b: {  	[tilespmem:$0x1B10] =	vst v0  }
0x7c: {  	v0 =	vld.idx.msk [tilespmem:v48+s3+$0x0], $0xffff;
	_ =	sdelay $0x3  }
0x7d: {  	v50 =	vld [tilespmem:$0xD40]  }
0x7e: {  	[tilespmem:$0x1B20] =	vst v0  }
0x7f: {  	v0 =	vld.idx.msk [tilespmem:v49+s3+$0x0], $0xffff;
	_ =	sdelay $0x3  }
0x80: {  	v51 =	vld [tilespmem:$0xD50]  }
0x81: {  	[tilespmem:$0x1B30] =	vst v0  }
0x82: {  	v0 =	vld.idx.msk [tilespmem:v50+s3+$0x0], $0xffff;
	_ =	sdelay $0x3  }
0x83: {  	v52 =	vld [tilespmem:$0xD60]  }
0x84: {  	[tilespmem:$0x1B40] =	vst v0  }
0x85: {  	v0 =	vld.idx.msk [tilespmem:v51+s3+$0x0], $0xffff;
	_ =	sdelay $0x3  }
0x86: {  	v53 =	vld [tilespmem:$0xD70]  }
0x87: {  	[tilespmem:$0x1B50] =	vst v0  }
0x88: {  	v0 =	vld.idx.msk [tilespmem:v52+s3+$0x0], $0xffff;
	_ =	sdelay $0x3  }
0x89: {  	v54 =	vld [tilespmem:$0xD80]  }
0x8a: {  	[tilespmem:$0x1B60] =	vst v0  }
0x8b: {  	v0 =	vld.idx.msk [tilespmem:v53+s3+$0x0], $0xffff;
	_ =	sdelay $0x3  }
0x8c: {  	v55 =	vld [tilespmem:$0xD90]  }
0x8d: {  	[tilespmem:$0x1B70] =	vst v0  }
0x8e: {  	v0 =	vld.idx.msk [tilespmem:v54+s3+$0x0], $0xffff;
	_ =	sdelay $0x3  }
0x8f: {  	v56 =	vld [tilespmem:$0xDA0]  }
0x90: {  	[tilespmem:$0x1B80] =	vst v0  }
0x91: {  	v0 =	vld.idx.msk [tilespmem:v55+s3+$0x0], $0xffff;
	_ =	sdelay $0x3  }
0x92: {  	v57 =	vld [tilespmem:$0xDB0]  }
0x93: {  	[tilespmem:$0x1B90] =	vst v0  }
0x94: {  	v0 =	vld.idx.msk [tilespmem:v56+s3+$0x0], $0xffff;
	_ =	sdelay $0x3  }
0x95: {  	v58 =	vld [tilespmem:$0xDC0]  }
0x96: {  	[tilespmem:$0x1BA0] =	vst v0  }
0x97: {  	v0 =	vld.idx.msk [tilespmem:v57+s3+$0x0], $0xffff;
	_ =	sdelay $0x3  }
0x98: {  	v59 =	vld [tilespmem:$0xDD0]  }
0x99: {  	[tilespmem:$0x1BB0] =	vst v0  }
0x9a: {  	v0 =	vld.idx.msk [tilespmem:v58+s3+$0x0], $0xffff;
	_ =	sdelay $0x3  }
0x9b: {  	v60 =	vld [tilespmem:$0xDE0]  }
0x9c: {  	[tilespmem:$0x1BC0] =	vst v0  }
0x9d: {  	v0 =	vld.idx.msk [tilespmem:v59+s3+$0x0], $0xffff;
	_ =	sdelay $0x3  }
0x9e: {  	v61 =	vld [tilespmem:$0xDF0]  }
0x9f: {  	[tilespmem:$0x1BD0] =	vst v0  }
0xa0: {  	v0 =	vld.idx.msk [tilespmem:v60+s3+$0x0], $0xffff;
	_ =	sdelay $0x3  }
0xa1: {  	v62 =	vld [tilespmem:$0xE00]  }
0xa2: {  	[tilespmem:$0x1BE0] =	vst v0  }
0xa3: {  	v0 =	vld.idx.msk [tilespmem:v61+s3+$0x0], $0xffff;
	_ =	sdelay $0x3  }
0xa4: {  	v63 =	vld [tilespmem:$0xE10]  }
0xa5: {  	[tilespmem:$0x1BF0] =	vst v0  }
0xa6: {  	v0 =	vld.idx.msk [tilespmem:v62+s3+$0x0], $0xffff;
	_ =	sdelay $0x4  }
0xa7: {  	[tilespmem:$0x1C00] =	vst v0  }
0xa8: {  	v0 =	vld.idx.msk [tilespmem:v63+s3+$0x0], $0xffff;
	_ =	sdelay $0x4  }
0xa9: {  	[tilespmem:$0x1C10] =	vst v0  }
0xaa: {  	[hbm4b:s11+s3] =	stream.linear.scatter [tilespmem:s24], [sflag:$0x8], $0x320, $0x38;
	[tilespmem:$0x1C80] =	vst v63  }
0xab: {  	_ =	swait.ge [sflag:s25], $0x320  }
0xac: {  	s26 =	simm.s32 $0x8;
	[sflag:s25] =	ssyncset.done $0x0  }
0xad: {  	s28 =	simm.s32 $0x7;
	s29 =	simm.s32 $0x6;
	[sflag:s25] =	ssyncadd.s32 $0xFFFFFCE0  }
.LBB2_4:
0xae: {  	_ =	swait.ge [sflag:s29], $0x320  }
0xaf: {  	[sflag:s29] =	ssyncset.done $0x0  }
0xb0: {  	s12 =	sadd.s32 $0xFFFFFFFF, s12;
	[sflag:s29] =	ssyncadd.s32 $0xFFFFFCE0  }
0xb1: {  	p1 =	sne.s32 s12, $0x0;
	_ =	swait.ge [sflag:s28], $0x320  }
.Ltmp1:
0xb2: {  	[sflag:s28] =	ssyncset.done $0x0;
	(pc) =	sbr.rel @!p1 .LBB2_5-.Ltmp1, $4  }
0xb3: {  	[sflag:s28] =	ssyncadd.s32 $0xFFFFFCE0  }
0xb4: {  	_ =	swait.ge [sflag:s26], $0x320  }
0xb5: {  	[sflag:s26] =	ssyncset.done $0x0  }
0xb6: {  	[sflag:s26] =	ssyncadd.s32 $0xFFFFFCE0  }
.LBB2_1:
0xb7: {  	[tilespmem:s3], [sflag:$0x9] =	stream.linear.gather [hbm4b:s2+s3], $0x80, $0x38;
	[tilespmem:$0x1C80] =	vst v63  }
0xb8: {  	_ =	swait.ge [sflag:s13], $0x80  }
0xb9: {  	[sflag:s13] =	ssyncset.done $0x0  }
0xba: {  	[sflag:s13] =	ssyncadd.s32 $0xFFFFFF80  }
0xbb: {  	[tilespmem:s14], [sflag:$0x1] =	stream.linear.gather [hbm4b:s4+s3], $0x320, $0x38;
	[tilespmem:$0x1C80] =	vst v63  }
0xbc: {  	_ = 	snop  }
0xbd: {  	[tilespmem:s15], [sflag:$0x2] =	stream.linear.gather [hbm4b:s5+s3], $0x320, $0x38;
	[tilespmem:$0x1C80] =	vst v63  }
0xbe: {  	_ = 	snop  }
0xbf: {  	[tilespmem:s16], [sflag:$0x3] =	stream.linear.gather [hbm4b:s6+s3], $0x320, $0x38;
	[tilespmem:$0x1C80] =	vst v63  }
0xc0: {  	s26 =	simm.s32 @!p0 $0x0;
	s28 =	simm.s32 @!p0 $0xB00  }
0xc1: {  	[tilespmem:s28], [sflag:$0x4] =	stream.linear.gather @!p0 [hbm4b:s7+s26], $0x320, $0x38;
	[tilespmem:$0x1C80] =	vst v63  }
0xc2: {  	_ =	swait.ge [sflag:s17], $0x320  }
0xc3: {  	[sflag:s17] =	ssyncset.done $0x0  }
0xc4: {  	[sflag:s17] =	ssyncadd.s32 $0xFFFFFCE0  }
0xc5: {  	v0 =	vld [tilespmem:$0x80];
	_ =	sdelay $0x5  }
0xc6: {  	v1 =	vld [tilespmem:$0x90];
	_ =	sdelay $0x1  }
0xc7: {  	v0 =	vld.idx.msk [tilespmem:v0+s3+$0x0], $0xffff;
	_ =	sdelay $0x3  }
0xc8: {  	v2 =	vld [tilespmem:$0xA0]  }
0xc9: {  	[tilespmem:$0xE80] =	vst v0  }
0xca: {  	v0 =	vld.idx.msk [tilespmem:v1+s3+$0x0], $0xffff;
	_ =	sdelay $0x3  }
0xcb: {  	v37 =	vld [tilespmem:$0xB0]  }
0xcc: {  	[tilespmem:$0xE90] =	vst v0  }
0xcd: {  	v0 =	vld.idx.msk [tilespmem:v2+s3+$0x0], $0xffff;
	_ =	sdelay $0x3  }
0xce: {  	v38 =	vld [tilespmem:$0xC0]  }
0xcf: {  	[tilespmem:$0xEA0] =	vst v0  }
0xd0: {  	v0 =	vld.idx.msk [tilespmem:v37+s3+$0x0], $0xffff;
	_ =	sdelay $0x3  }
0xd1: {  	v39 =	vld [tilespmem:$0xD0]  }
0xd2: {  	[tilespmem:$0xEB0] =	vst v0  }
0xd3: {  	v0 =	vld.idx.msk [tilespmem:v38+s3+$0x0], $0xffff;
	_ =	sdelay $0x3  }
0xd4: {  	v40 =	vld [tilespmem:$0xE0]  }
0xd5: {  	[tilespmem:$0xEC0] =	vst v0  }
0xd6: {  	v0 =	vld.idx.msk [tilespmem:v39+s3+$0x0], $0xffff;
	_ =	sdelay $0x3  }
0xd7: {  	v41 =	vld [tilespmem:$0xF0]  }
0xd8: {  	[tilespmem:$0xED0] =	vst v0  }
0xd9: {  	v0 =	vld.idx.msk [tilespmem:v40+s3+$0x0], $0xffff;
	_ =	sdelay $0x3  }
0xda: {  	v42 =	vld [tilespmem:$0x100]  }
0xdb: {  	[tilespmem:$0xEE0] =	vst v0  }
0xdc: {  	v0 =	vld.idx.msk [tilespmem:v41+s3+$0x0], $0xffff;
	_ =	sdelay $0x3  }
0xdd: {  	v43 =	vld [tilespmem:$0x110]  }
0xde: {  	[tilespmem:$0xEF0] =	vst v0  }
0xdf: {  	v0 =	vld.idx.msk [tilespmem:v42+s3+$0x0], $0xffff;
	_ =	sdelay $0x3  }
0xe0: {  	v44 =	vld [tilespmem:$0x120]  }
0xe1: {  	[tilespmem:$0xF00] =	vst v0  }
0xe2: {  	v0 =	vld.idx.msk [tilespmem:v43+s3+$0x0], $0xffff;
	_ =	sdelay $0x3  }
0xe3: {  	v45 =	vld [tilespmem:$0x130]  }
0xe4: {  	[tilespmem:$0xF10] =	vst v0  }
0xe5: {  	v0 =	vld.idx.msk [tilespmem:v44+s3+$0x0], $0xffff;
	_ =	sdelay $0x3  }
0xe6: {  	v46 =	vld [tilespmem:$0x140]  }
0xe7: {  	[tilespmem:$0xF20] =	vst v0  }
0xe8: {  	v0 =	vld.idx.msk [tilespmem:v45+s3+$0x0], $0xffff;
	_ =	sdelay $0x3  }
0xe9: {  	v47 =	vld [tilespmem:$0x150]  }
0xea: {  	[tilespmem:$0xF30] =	vst v0  }
0xeb: {  	v0 =	vld.idx.msk [tilespmem:v46+s3+$0x0], $0xffff;
	_ =	sdelay $0x3  }
0xec: {  	v48 =	vld [tilespmem:$0x160]  }
0xed: {  	[tilespmem:$0xF40] =	vst v0  }
0xee: {  	v0 =	vld.idx.msk [tilespmem:v47+s3+$0x0], $0xffff;
	_ =	sdelay $0x3  }
0xef: {  	v49 =	vld [tilespmem:$0x170]  }
0xf0: {  	[tilespmem:$0xF50] =	vst v0  }
0xf1: {  	v0 =	vld.idx.msk [tilespmem:v48+s3+$0x0], $0xffff;
	_ =	sdelay $0x3  }
0xf2: {  	v50 =	vld [tilespmem:$0x180]  }
0xf3: {  	[tilespmem:$0xF60] =	vst v0  }
0xf4: {  	v0 =	vld.idx.msk [tilespmem:v49+s3+$0x0], $0xffff;
	_ =	sdelay $0x3  }
0xf5: {  	v51 =	vld [tilespmem:$0x190]  }
0xf6: {  	[tilespmem:$0xF70] =	vst v0  }
0xf7: {  	v0 =	vld.idx.msk [tilespmem:v50+s3+$0x0], $0xffff;
	_ =	sdelay $0x3  }
0xf8: {  	v52 =	vld [tilespmem:$0x1A0]  }
0xf9: {  	[tilespmem:$0xF80] =	vst v0  }
0xfa: {  	v0 =	vld.idx.msk [tilespmem:v51+s3+$0x0], $0xffff;
	_ =	sdelay $0x3  }
0xfb: {  	v53 =	vld [tilespmem:$0x1B0]  }
0xfc: {  	[tilespmem:$0xF90] =	vst v0  }
0xfd: {  	v0 =	vld.idx.msk [tilespmem:v52+s3+$0x0], $0xffff;
	_ =	sdelay $0x3  }
0xfe: {  	v54 =	vld [tilespmem:$0x1C0]  }
0xff: {  	[tilespmem:$0xFA0] =	vst v0  }
0x100: {  	v0 =	vld.idx.msk [tilespmem:v53+s3+$0x0], $0xffff;
	_ =	sdelay $0x3  }
0x101: {  	v55 =	vld [tilespmem:$0x1D0]  }
0x102: {  	[tilespmem:$0xFB0] =	vst v0  }
0x103: {  	v0 =	vld.idx.msk [tilespmem:v54+s3+$0x0], $0xffff;
	_ =	sdelay $0x3  }
0x104: {  	v56 =	vld [tilespmem:$0x1E0]  }
0x105: {  	[tilespmem:$0xFC0] =	vst v0  }
0x106: {  	v0 =	vld.idx.msk [tilespmem:v55+s3+$0x0], $0xffff;
	_ =	sdelay $0x3  }
0x107: {  	v57 =	vld [tilespmem:$0x1F0]  }
0x108: {  	[tilespmem:$0xFD0] =	vst v0  }
0x109: {  	v0 =	vld.idx.msk [tilespmem:v56+s3+$0x0], $0xffff;
	_ =	sdelay $0x3  }
0x10a: {  	v58 =	vld [tilespmem:$0x200]  }
0x10b: {  	[tilespmem:$0xFE0] =	vst v0  }
0x10c: {  	v0 =	vld.idx.msk [tilespmem:v57+s3+$0x0], $0xffff;
	_ =	sdelay $0x3  }
0x10d: {  	v59 =	vld [tilespmem:$0x210]  }
0x10e: {  	[tilespmem:$0xFF0] =	vst v0  }
0x10f: {  	v0 =	vld.idx.msk [tilespmem:v58+s3+$0x0], $0xffff;
	_ =	sdelay $0x3  }
0x110: {  	v60 =	vld [tilespmem:$0x220]  }
0x111: {  	[tilespmem:$0x1000] =	vst v0  }
0x112: {  	v0 =	vld.idx.msk [tilespmem:v59+s3+$0x0], $0xffff;
	_ =	sdelay $0x3  }
0x113: {  	v61 =	vld [tilespmem:$0x230]  }
0x114: {  	[tilespmem:$0x1010] =	vst v0  }
0x115: {  	v0 =	vld.idx.msk [tilespmem:v60+s3+$0x0], $0xffff;
	_ =	sdelay $0x3  }
0x116: {  	v62 =	vld [tilespmem:$0x240]  }
0x117: {  	[tilespmem:$0x1020] =	vst v0  }
0x118: {  	v0 =	vld.idx.msk [tilespmem:v61+s3+$0x0], $0xffff;
	_ =	sdelay $0x3  }
0x119: {  	v63 =	vld [tilespmem:$0x250]  }
0x11a: {  	[tilespmem:$0x1030] =	vst v0  }
0x11b: {  	v0 =	vld.idx.msk [tilespmem:v62+s3+$0x0], $0xffff;
	_ =	sdelay $0x3  }
0x11c: {  	v4 =	vld [tilespmem:$0x260]  }
0x11d: {  	[tilespmem:$0x1040] =	vst v0  }
0x11e: {  	v0 =	vld.idx.msk [tilespmem:v63+s3+$0x0], $0xffff;
	_ =	sdelay $0x3  }
0x11f: {  	v5 =	vld [tilespmem:$0x270]  }
0x120: {  	[tilespmem:$0x1050] =	vst v0  }
0x121: {  	v0 =	vld.idx.msk [tilespmem:v4+s3+$0x0], $0xffff;
	_ =	sdelay $0x3  }
0x122: {  	v6 =	vld [tilespmem:$0x280]  }
0x123: {  	[tilespmem:$0x1060] =	vst v0  }
0x124: {  	v0 =	vld.idx.msk [tilespmem:v5+s3+$0x0], $0xffff;
	_ =	sdelay $0x3  }
0x125: {  	v7 =	vld [tilespmem:$0x290]  }
0x126: {  	[tilespmem:$0x1070] =	vst v0  }
0x127: {  	v0 =	vld.idx.msk [tilespmem:v6+s3+$0x0], $0xffff;
	_ =	sdelay $0x3  }
0x128: {  	v8 =	vld [tilespmem:$0x2A0]  }
0x129: {  	[tilespmem:$0x1080] =	vst v0  }
0x12a: {  	v0 =	vld.idx.msk [tilespmem:v7+s3+$0x0], $0xffff;
	_ =	sdelay $0x3  }
0x12b: {  	v9 =	vld [tilespmem:$0x2B0]  }
0x12c: {  	[tilespmem:$0x1090] =	vst v0  }
0x12d: {  	v0 =	vld.idx.msk [tilespmem:v8+s3+$0x0], $0xffff;
	_ =	sdelay $0x3  }
0x12e: {  	v10 =	vld [tilespmem:$0x2C0]  }
0x12f: {  	[tilespmem:$0x10A0] =	vst v0  }
0x130: {  	v0 =	vld.idx.msk [tilespmem:v9+s3+$0x0], $0xffff;
	_ =	sdelay $0x3  }
0x131: {  	v11 =	vld [tilespmem:$0x2D0]  }
0x132: {  	[tilespmem:$0x10B0] =	vst v0  }
0x133: {  	v0 =	vld.idx.msk [tilespmem:v10+s3+$0x0], $0xffff;
	_ =	sdelay $0x3  }
0x134: {  	v12 =	vld [tilespmem:$0x2E0]  }
0x135: {  	[tilespmem:$0x10C0] =	vst v0  }
0x136: {  	v0 =	vld.idx.msk [tilespmem:v11+s3+$0x0], $0xffff;
	_ =	sdelay $0x3  }
0x137: {  	v13 =	vld [tilespmem:$0x2F0]  }
0x138: {  	[tilespmem:$0x10D0] =	vst v0  }
0x139: {  	v0 =	vld.idx.msk [tilespmem:v12+s3+$0x0], $0xffff;
	_ =	sdelay $0x3  }
0x13a: {  	v14 =	vld [tilespmem:$0x300]  }
0x13b: {  	[tilespmem:$0x10E0] =	vst v0  }
0x13c: {  	v0 =	vld.idx.msk [tilespmem:v13+s3+$0x0], $0xffff;
	_ =	sdelay $0x3  }
0x13d: {  	v15 =	vld [tilespmem:$0x310]  }
0x13e: {  	[tilespmem:$0x10F0] =	vst v0  }
0x13f: {  	v0 =	vld.idx.msk [tilespmem:v14+s3+$0x0], $0xffff;
	_ =	sdelay $0x3  }
0x140: {  	v16 =	vld [tilespmem:$0x320]  }
0x141: {  	[tilespmem:$0x1100] =	vst v0  }
0x142: {  	v0 =	vld.idx.msk [tilespmem:v15+s3+$0x0], $0xffff;
	_ =	sdelay $0x3  }
0x143: {  	v17 =	vld [tilespmem:$0x330]  }
0x144: {  	[tilespmem:$0x1110] =	vst v0  }
0x145: {  	v0 =	vld.idx.msk [tilespmem:v16+s3+$0x0], $0xffff;
	_ =	sdelay $0x3  }
0x146: {  	v18 =	vld [tilespmem:$0x340]  }
0x147: {  	[tilespmem:$0x1120] =	vst v0  }
0x148: {  	v0 =	vld.idx.msk [tilespmem:v17+s3+$0x0], $0xffff;
	_ =	sdelay $0x3  }
0x149: {  	v19 =	vld [tilespmem:$0x350]  }
0x14a: {  	[tilespmem:$0x1130] =	vst v0  }
0x14b: {  	v0 =	vld.idx.msk [tilespmem:v18+s3+$0x0], $0xffff;
	_ =	sdelay $0x3  }
0x14c: {  	v20 =	vld [tilespmem:$0x360]  }
0x14d: {  	[tilespmem:$0x1140] =	vst v0  }
0x14e: {  	v0 =	vld.idx.msk [tilespmem:v19+s3+$0x0], $0xffff;
	_ =	sdelay $0x3  }
0x14f: {  	v21 =	vld [tilespmem:$0x370]  }
0x150: {  	[tilespmem:$0x1150] =	vst v0  }
0x151: {  	v0 =	vld.idx.msk [tilespmem:v20+s3+$0x0], $0xffff;
	_ =	sdelay $0x3  }
0x152: {  	v22 =	vld [tilespmem:$0x380]  }
0x153: {  	[tilespmem:$0x1160] =	vst v0  }
0x154: {  	v0 =	vld.idx.msk [tilespmem:v21+s3+$0x0], $0xffff;
	_ =	sdelay $0x3  }
0x155: {  	v23 =	vld [tilespmem:$0x390]  }
0x156: {  	[tilespmem:$0x1170] =	vst v0  }
0x157: {  	v0 =	vld.idx.msk [tilespmem:v22+s3+$0x0], $0xffff;
	_ =	sdelay $0x4  }
0x158: {  	[tilespmem:$0x1180] =	vst v0  }
0x159: {  	v0 =	vld.idx.msk [tilespmem:v23+s3+$0x0], $0xffff;
	_ =	sdelay $0x4  }
0x15a: {  	[tilespmem:$0x1190] =	vst v0  }
0x15b: {  	[hbm4b:s8+s3] =	stream.linear.scatter [tilespmem:s18], [sflag:$0x5], $0x320, $0x38;
	[tilespmem:$0x1C80] =	vst v63  }
0x15c: {  	_ =	swait.ge [sflag:s19], $0x320  }
0x15d: {  	[sflag:s19] =	ssyncset.done $0x0  }
0x15e: {  	[sflag:s19] =	ssyncadd.s32 $0xFFFFFCE0  }
0x15f: {  	v24 =	vld [tilespmem:$0x400];
	_ =	sdelay $0x5  }
0x160: {  	v25 =	vld [tilespmem:$0x410];
	_ =	sdelay $0x1  }
0x161: {  	v0 =	vld.idx.msk [tilespmem:v24+s3+$0x0], $0xffff;
	_ =	sdelay $0x3  }
0x162: {  	v26 =	vld [tilespmem:$0x420]  }
0x163: {  	[tilespmem:$0x1200] =	vst v0  }
0x164: {  	v0 =	vld.idx.msk [tilespmem:v25+s3+$0x0], $0xffff;
	_ =	sdelay $0x3  }
0x165: {  	v27 =	vld [tilespmem:$0x430]  }
0x166: {  	[tilespmem:$0x1210] =	vst v0  }
0x167: {  	v0 =	vld.idx.msk [tilespmem:v26+s3+$0x0], $0xffff;
	_ =	sdelay $0x3  }
0x168: {  	v28 =	vld [tilespmem:$0x440]  }
0x169: {  	[tilespmem:$0x1220] =	vst v0  }
0x16a: {  	v0 =	vld.idx.msk [tilespmem:v27+s3+$0x0], $0xffff;
	_ =	sdelay $0x3  }
0x16b: {  	v29 =	vld [tilespmem:$0x450]  }
0x16c: {  	[tilespmem:$0x1230] =	vst v0  }
0x16d: {  	v0 =	vld.idx.msk [tilespmem:v28+s3+$0x0], $0xffff;
	_ =	sdelay $0x3  }
0x16e: {  	v30 =	vld [tilespmem:$0x460]  }
0x16f: {  	[tilespmem:$0x1240] =	vst v0  }
0x170: {  	v0 =	vld.idx.msk [tilespmem:v29+s3+$0x0], $0xffff;
	_ =	sdelay $0x3  }
0x171: {  	v31 =	vld [tilespmem:$0x470]  }
0x172: {  	[tilespmem:$0x1250] =	vst v0  }
0x173: {  	v0 =	vld.idx.msk [tilespmem:v30+s3+$0x0], $0xffff;
	_ =	sdelay $0x3  }
0x174: {  	v32 =	vld [tilespmem:$0x480]  }
0x175: {  	[tilespmem:$0x1260] =	vst v0  }
0x176: {  	v0 =	vld.idx.msk [tilespmem:v31+s3+$0x0], $0xffff;
	_ =	sdelay $0x3  }
0x177: {  	v33 =	vld [tilespmem:$0x490]  }
0x178: {  	[tilespmem:$0x1270] =	vst v0  }
0x179: {  	v0 =	vld.idx.msk [tilespmem:v32+s3+$0x0], $0xffff;
	_ =	sdelay $0x3  }
0x17a: {  	v34 =	vld [tilespmem:$0x4A0]  }
0x17b: {  	[tilespmem:$0x1280] =	vst v0  }
0x17c: {  	v0 =	vld.idx.msk [tilespmem:v33+s3+$0x0], $0xffff;
	_ =	sdelay $0x3  }
0x17d: {  	v35 =	vld [tilespmem:$0x4B0]  }
0x17e: {  	[tilespmem:$0x1290] =	vst v0  }
0x17f: {  	v0 =	vld.idx.msk [tilespmem:v34+s3+$0x0], $0xffff;
	_ =	sdelay $0x3  }
0x180: {  	v36 =	vld [tilespmem:$0x4C0]  }
0x181: {  	[tilespmem:$0x12A0] =	vst v0  }
0x182: {  	v0 =	vld.idx.msk [tilespmem:v35+s3+$0x0], $0xffff;
	_ =	sdelay $0x3  }
0x183: {  	v37 =	vld [tilespmem:$0x4D0]  }
0x184: {  	[tilespmem:$0x12B0] =	vst v0  }
0x185: {  	v0 =	vld.idx.msk [tilespmem:v36+s3+$0x0], $0xffff;
	_ =	sdelay $0x3  }
0x186: {  	v38 =	vld [tilespmem:$0x4E0]  }
0x187: {  	[tilespmem:$0x12C0] =	vst v0  }
0x188: {  	v0 =	vld.idx.msk [tilespmem:v37+s3+$0x0], $0xffff;
	_ =	sdelay $0x3  }
0x189: {  	v39 =	vld [tilespmem:$0x4F0]  }
0x18a: {  	[tilespmem:$0x12D0] =	vst v0  }
0x18b: {  	v0 =	vld.idx.msk [tilespmem:v38+s3+$0x0], $0xffff;
	_ =	sdelay $0x3  }
0x18c: {  	v40 =	vld [tilespmem:$0x500]  }
0x18d: {  	[tilespmem:$0x12E0] =	vst v0  }
0x18e: {  	v0 =	vld.idx.msk [tilespmem:v39+s3+$0x0], $0xffff;
	_ =	sdelay $0x3  }
0x18f: {  	v41 =	vld [tilespmem:$0x510]  }
0x190: {  	[tilespmem:$0x12F0] =	vst v0  }
0x191: {  	v0 =	vld.idx.msk [tilespmem:v40+s3+$0x0], $0xffff;
	_ =	sdelay $0x3  }
0x192: {  	v42 =	vld [tilespmem:$0x520]  }
0x193: {  	[tilespmem:$0x1300] =	vst v0  }
0x194: {  	v0 =	vld.idx.msk [tilespmem:v41+s3+$0x0], $0xffff;
	_ =	sdelay $0x3  }
0x195: {  	v43 =	vld [tilespmem:$0x530]  }
0x196: {  	[tilespmem:$0x1310] =	vst v0  }
0x197: {  	v0 =	vld.idx.msk [tilespmem:v42+s3+$0x0], $0xffff;
	_ =	sdelay $0x3  }
0x198: {  	v44 =	vld [tilespmem:$0x540]  }
0x199: {  	[tilespmem:$0x1320] =	vst v0  }
0x19a: {  	v0 =	vld.idx.msk [tilespmem:v43+s3+$0x0], $0xffff;
	_ =	sdelay $0x3  }
0x19b: {  	v45 =	vld [tilespmem:$0x550]  }
0x19c: {  	[tilespmem:$0x1330] =	vst v0  }
0x19d: {  	v0 =	vld.idx.msk [tilespmem:v44+s3+$0x0], $0xffff;
	_ =	sdelay $0x3  }
0x19e: {  	v46 =	vld [tilespmem:$0x560]  }
0x19f: {  	[tilespmem:$0x1340] =	vst v0  }
0x1a0: {  	v0 =	vld.idx.msk [tilespmem:v45+s3+$0x0], $0xffff;
	_ =	sdelay $0x3  }
0x1a1: {  	v47 =	vld [tilespmem:$0x570]  }
0x1a2: {  	[tilespmem:$0x1350] =	vst v0  }
0x1a3: {  	v0 =	vld.idx.msk [tilespmem:v46+s3+$0x0], $0xffff;
	_ =	sdelay $0x3  }
0x1a4: {  	v48 =	vld [tilespmem:$0x580]  }
0x1a5: {  	[tilespmem:$0x1360] =	vst v0  }
0x1a6: {  	v0 =	vld.idx.msk [tilespmem:v47+s3+$0x0], $0xffff;
	_ =	sdelay $0x3  }
0x1a7: {  	v49 =	vld [tilespmem:$0x590]  }
0x1a8: {  	[tilespmem:$0x1370] =	vst v0  }
0x1a9: {  	v0 =	vld.idx.msk [tilespmem:v48+s3+$0x0], $0xffff;
	_ =	sdelay $0x3  }
0x1aa: {  	v50 =	vld [tilespmem:$0x5A0]  }
0x1ab: {  	[tilespmem:$0x1380] =	vst v0  }
0x1ac: {  	v0 =	vld.idx.msk [tilespmem:v49+s3+$0x0], $0xffff;
	_ =	sdelay $0x3  }
0x1ad: {  	v51 =	vld [tilespmem:$0x5B0]  }
0x1ae: {  	[tilespmem:$0x1390] =	vst v0  }
0x1af: {  	v0 =	vld.idx.msk [tilespmem:v50+s3+$0x0], $0xffff;
	_ =	sdelay $0x3  }
0x1b0: {  	v52 =	vld [tilespmem:$0x5C0]  }
0x1b1: {  	[tilespmem:$0x13A0] =	vst v0  }
0x1b2: {  	v0 =	vld.idx.msk [tilespmem:v51+s3+$0x0], $0xffff;
	_ =	sdelay $0x3  }
0x1b3: {  	v53 =	vld [tilespmem:$0x5D0]  }
0x1b4: {  	[tilespmem:$0x13B0] =	vst v0  }
0x1b5: {  	v0 =	vld.idx.msk [tilespmem:v52+s3+$0x0], $0xffff;
	_ =	sdelay $0x3  }
0x1b6: {  	v54 =	vld [tilespmem:$0x5E0]  }
0x1b7: {  	[tilespmem:$0x13C0] =	vst v0  }
0x1b8: {  	v0 =	vld.idx.msk [tilespmem:v53+s3+$0x0], $0xffff;
	_ =	sdelay $0x3  }
0x1b9: {  	v55 =	vld [tilespmem:$0x5F0]  }
0x1ba: {  	[tilespmem:$0x13D0] =	vst v0  }
0x1bb: {  	v0 =	vld.idx.msk [tilespmem:v54+s3+$0x0], $0xffff;
	_ =	sdelay $0x3  }
0x1bc: {  	v56 =	vld [tilespmem:$0x600]  }
0x1bd: {  	[tilespmem:$0x13E0] =	vst v0  }
0x1be: {  	v0 =	vld.idx.msk [tilespmem:v55+s3+$0x0], $0xffff;
	_ =	sdelay $0x3  }
0x1bf: {  	v57 =	vld [tilespmem:$0x610]  }
0x1c0: {  	[tilespmem:$0x13F0] =	vst v0  }
0x1c1: {  	v0 =	vld.idx.msk [tilespmem:v56+s3+$0x0], $0xffff;
	_ =	sdelay $0x3  }
0x1c2: {  	v58 =	vld [tilespmem:$0x620]  }
0x1c3: {  	[tilespmem:$0x1400] =	vst v0  }
0x1c4: {  	v0 =	vld.idx.msk [tilespmem:v57+s3+$0x0], $0xffff;
	_ =	sdelay $0x3  }
0x1c5: {  	v59 =	vld [tilespmem:$0x630]  }
0x1c6: {  	[tilespmem:$0x1410] =	vst v0  }
0x1c7: {  	v0 =	vld.idx.msk [tilespmem:v58+s3+$0x0], $0xffff;
	_ =	sdelay $0x3  }
0x1c8: {  	v60 =	vld [tilespmem:$0x640]  }
0x1c9: {  	[tilespmem:$0x1420] =	vst v0  }
0x1ca: {  	v0 =	vld.idx.msk [tilespmem:v59+s3+$0x0], $0xffff;
	_ =	sdelay $0x3  }
0x1cb: {  	v61 =	vld [tilespmem:$0x650]  }
0x1cc: {  	[tilespmem:$0x1430] =	vst v0  }
0x1cd: {  	v0 =	vld.idx.msk [tilespmem:v60+s3+$0x0], $0xffff;
	_ =	sdelay $0x3  }
0x1ce: {  	v62 =	vld [tilespmem:$0x660]  }
0x1cf: {  	[tilespmem:$0x1440] =	vst v0  }
0x1d0: {  	v0 =	vld.idx.msk [tilespmem:v61+s3+$0x0], $0xffff;
	_ =	sdelay $0x3  }
0x1d1: {  	v63 =	vld [tilespmem:$0x670]  }
0x1d2: {  	[tilespmem:$0x1450] =	vst v0  }
0x1d3: {  	v0 =	vld.idx.msk [tilespmem:v62+s3+$0x0], $0xffff;
	_ =	sdelay $0x3  }
0x1d4: {  	v4 =	vld [tilespmem:$0x680]  }
0x1d5: {  	[tilespmem:$0x1460] =	vst v0  }
0x1d6: {  	v0 =	vld.idx.msk [tilespmem:v63+s3+$0x0], $0xffff;
	_ =	sdelay $0x3  }
0x1d7: {  	v5 =	vld [tilespmem:$0x690]  }
0x1d8: {  	[tilespmem:$0x1470] =	vst v0  }
0x1d9: {  	v0 =	vld.idx.msk [tilespmem:v4+s3+$0x0], $0xffff;
	_ =	sdelay $0x3  }
0x1da: {  	v6 =	vld [tilespmem:$0x6A0]  }
0x1db: {  	[tilespmem:$0x1480] =	vst v0  }
0x1dc: {  	v0 =	vld.idx.msk [tilespmem:v5+s3+$0x0], $0xffff;
	_ =	sdelay $0x3  }
0x1dd: {  	v7 =	vld [tilespmem:$0x6B0]  }
0x1de: {  	[tilespmem:$0x1490] =	vst v0  }
0x1df: {  	v0 =	vld.idx.msk [tilespmem:v6+s3+$0x0], $0xffff;
	_ =	sdelay $0x3  }
0x1e0: {  	v8 =	vld [tilespmem:$0x6C0]  }
0x1e1: {  	[tilespmem:$0x14A0] =	vst v0  }
0x1e2: {  	v0 =	vld.idx.msk [tilespmem:v7+s3+$0x0], $0xffff;
	_ =	sdelay $0x3  }
0x1e3: {  	v9 =	vld [tilespmem:$0x6D0]  }
0x1e4: {  	[tilespmem:$0x14B0] =	vst v0  }
0x1e5: {  	v0 =	vld.idx.msk [tilespmem:v8+s3+$0x0], $0xffff;
	_ =	sdelay $0x3  }
0x1e6: {  	v10 =	vld [tilespmem:$0x6E0]  }
0x1e7: {  	[tilespmem:$0x14C0] =	vst v0  }
0x1e8: {  	v0 =	vld.idx.msk [tilespmem:v9+s3+$0x0], $0xffff;
	_ =	sdelay $0x3  }
0x1e9: {  	v11 =	vld [tilespmem:$0x6F0]  }
0x1ea: {  	[tilespmem:$0x14D0] =	vst v0  }
0x1eb: {  	v0 =	vld.idx.msk [tilespmem:v10+s3+$0x0], $0xffff;
	_ =	sdelay $0x3  }
0x1ec: {  	v12 =	vld [tilespmem:$0x700]  }
0x1ed: {  	[tilespmem:$0x14E0] =	vst v0  }
0x1ee: {  	v0 =	vld.idx.msk [tilespmem:v11+s3+$0x0], $0xffff;
	_ =	sdelay $0x3  }
0x1ef: {  	v13 =	vld [tilespmem:$0x710]  }
0x1f0: {  	[tilespmem:$0x14F0] =	vst v0  }
0x1f1: {  	v0 =	vld.idx.msk [tilespmem:v12+s3+$0x0], $0xffff;
	_ =	sdelay $0x4  }
0x1f2: {  	[tilespmem:$0x1500] =	vst v0  }
0x1f3: {  	v0 =	vld.idx.msk [tilespmem:v13+s3+$0x0], $0xffff;
	_ =	sdelay $0x4  }
0x1f4: {  	[tilespmem:$0x1510] =	vst v0  }
0x1f5: {  	[hbm4b:s9+s3] =	stream.linear.scatter [tilespmem:s20], [sflag:$0x6], $0x320, $0x38;
	[tilespmem:$0x1C80] =	vst v63  }
0x1f6: {  	_ =	swait.ge [sflag:s21], $0x320  }
0x1f7: {  	[sflag:s21] =	ssyncset.done $0x0  }
0x1f8: {  	[sflag:s21] =	ssyncadd.s32 $0xFFFFFCE0  }
0x1f9: {  	v14 =	vld [tilespmem:$0x780];
	_ =	sdelay $0x5  }
0x1fa: {  	v15 =	vld [tilespmem:$0x790];
	_ =	sdelay $0x1  }
0x1fb: {  	v0 =	vld.idx.msk [tilespmem:v14+s3+$0x0], $0xffff;
	_ =	sdelay $0x3  }
0x1fc: {  	v16 =	vld [tilespmem:$0x7A0]  }
0x1fd: {  	[tilespmem:$0x1580] =	vst v0  }
0x1fe: {  	v0 =	vld.idx.msk [tilespmem:v15+s3+$0x0], $0xffff;
	_ =	sdelay $0x3  }
0x1ff: {  	v17 =	vld [tilespmem:$0x7B0]  }
0x200: {  	[tilespmem:$0x1590] =	vst v0  }
0x201: {  	v0 =	vld.idx.msk [tilespmem:v16+s3+$0x0], $0xffff;
	_ =	sdelay $0x3  }
0x202: {  	v18 =	vld [tilespmem:$0x7C0]  }
0x203: {  	[tilespmem:$0x15A0] =	vst v0  }
0x204: {  	v0 =	vld.idx.msk [tilespmem:v17+s3+$0x0], $0xffff;
	_ =	sdelay $0x3  }
0x205: {  	v19 =	vld [tilespmem:$0x7D0]  }
0x206: {  	[tilespmem:$0x15B0] =	vst v0  }
0x207: {  	v0 =	vld.idx.msk [tilespmem:v18+s3+$0x0], $0xffff;
	_ =	sdelay $0x3  }
0x208: {  	v20 =	vld [tilespmem:$0x7E0]  }
0x209: {  	[tilespmem:$0x15C0] =	vst v0  }
0x20a: {  	v0 =	vld.idx.msk [tilespmem:v19+s3+$0x0], $0xffff;
	_ =	sdelay $0x3  }
0x20b: {  	v21 =	vld [tilespmem:$0x7F0]  }
0x20c: {  	[tilespmem:$0x15D0] =	vst v0  }
0x20d: {  	v0 =	vld.idx.msk [tilespmem:v20+s3+$0x0], $0xffff;
	_ =	sdelay $0x3  }
0x20e: {  	v22 =	vld [tilespmem:$0x800]  }
0x20f: {  	[tilespmem:$0x15E0] =	vst v0  }
0x210: {  	v0 =	vld.idx.msk [tilespmem:v21+s3+$0x0], $0xffff;
	_ =	sdelay $0x3  }
0x211: {  	v23 =	vld [tilespmem:$0x810]  }
0x212: {  	[tilespmem:$0x15F0] =	vst v0  }
0x213: {  	v0 =	vld.idx.msk [tilespmem:v22+s3+$0x0], $0xffff;
	_ =	sdelay $0x3  }
0x214: {  	v24 =	vld [tilespmem:$0x820]  }
0x215: {  	[tilespmem:$0x1600] =	vst v0  }
0x216: {  	v0 =	vld.idx.msk [tilespmem:v23+s3+$0x0], $0xffff;
	_ =	sdelay $0x3  }
0x217: {  	v25 =	vld [tilespmem:$0x830]  }
0x218: {  	[tilespmem:$0x1610] =	vst v0  }
0x219: {  	v0 =	vld.idx.msk [tilespmem:v24+s3+$0x0], $0xffff;
	_ =	sdelay $0x3  }
0x21a: {  	v26 =	vld [tilespmem:$0x840]  }
0x21b: {  	[tilespmem:$0x1620] =	vst v0  }
0x21c: {  	v0 =	vld.idx.msk [tilespmem:v25+s3+$0x0], $0xffff;
	_ =	sdelay $0x3  }
0x21d: {  	v27 =	vld [tilespmem:$0x850]  }
0x21e: {  	[tilespmem:$0x1630] =	vst v0  }
0x21f: {  	v0 =	vld.idx.msk [tilespmem:v26+s3+$0x0], $0xffff;
	_ =	sdelay $0x3  }
0x220: {  	v28 =	vld [tilespmem:$0x860]  }
0x221: {  	[tilespmem:$0x1640] =	vst v0  }
0x222: {  	v0 =	vld.idx.msk [tilespmem:v27+s3+$0x0], $0xffff;
	_ =	sdelay $0x3  }
0x223: {  	v29 =	vld [tilespmem:$0x870]  }
0x224: {  	[tilespmem:$0x1650] =	vst v0  }
0x225: {  	v0 =	vld.idx.msk [tilespmem:v28+s3+$0x0], $0xffff;
	_ =	sdelay $0x3  }
0x226: {  	v30 =	vld [tilespmem:$0x880]  }
0x227: {  	[tilespmem:$0x1660] =	vst v0  }
0x228: {  	v0 =	vld.idx.msk [tilespmem:v29+s3+$0x0], $0xffff;
	_ =	sdelay $0x3  }
0x229: {  	v31 =	vld [tilespmem:$0x890]  }
0x22a: {  	[tilespmem:$0x1670] =	vst v0  }
0x22b: {  	v0 =	vld.idx.msk [tilespmem:v30+s3+$0x0], $0xffff;
	_ =	sdelay $0x3  }
0x22c: {  	v32 =	vld [tilespmem:$0x8A0]  }
0x22d: {  	[tilespmem:$0x1680] =	vst v0  }
0x22e: {  	v0 =	vld.idx.msk [tilespmem:v31+s3+$0x0], $0xffff;
	_ =	sdelay $0x3  }
0x22f: {  	v33 =	vld [tilespmem:$0x8B0]  }
0x230: {  	[tilespmem:$0x1690] =	vst v0  }
0x231: {  	v0 =	vld.idx.msk [tilespmem:v32+s3+$0x0], $0xffff;
	_ =	sdelay $0x3  }
0x232: {  	v34 =	vld [tilespmem:$0x8C0]  }
0x233: {  	[tilespmem:$0x16A0] =	vst v0  }
0x234: {  	v0 =	vld.idx.msk [tilespmem:v33+s3+$0x0], $0xffff;
	_ =	sdelay $0x3  }
0x235: {  	v35 =	vld [tilespmem:$0x8D0]  }
0x236: {  	[tilespmem:$0x16B0] =	vst v0  }
0x237: {  	v0 =	vld.idx.msk [tilespmem:v34+s3+$0x0], $0xffff;
	_ =	sdelay $0x3  }
0x238: {  	v36 =	vld [tilespmem:$0x8E0]  }
0x239: {  	[tilespmem:$0x16C0] =	vst v0  }
0x23a: {  	v0 =	vld.idx.msk [tilespmem:v35+s3+$0x0], $0xffff;
	_ =	sdelay $0x3  }
0x23b: {  	v37 =	vld [tilespmem:$0x8F0]  }
0x23c: {  	[tilespmem:$0x16D0] =	vst v0  }
0x23d: {  	v0 =	vld.idx.msk [tilespmem:v36+s3+$0x0], $0xffff;
	_ =	sdelay $0x3  }
0x23e: {  	v38 =	vld [tilespmem:$0x900]  }
0x23f: {  	[tilespmem:$0x16E0] =	vst v0  }
0x240: {  	v0 =	vld.idx.msk [tilespmem:v37+s3+$0x0], $0xffff;
	_ =	sdelay $0x3  }
0x241: {  	v39 =	vld [tilespmem:$0x910]  }
0x242: {  	[tilespmem:$0x16F0] =	vst v0  }
0x243: {  	v0 =	vld.idx.msk [tilespmem:v38+s3+$0x0], $0xffff;
	_ =	sdelay $0x3  }
0x244: {  	v40 =	vld [tilespmem:$0x920]  }
0x245: {  	[tilespmem:$0x1700] =	vst v0  }
0x246: {  	v0 =	vld.idx.msk [tilespmem:v39+s3+$0x0], $0xffff;
	_ =	sdelay $0x3  }
0x247: {  	v41 =	vld [tilespmem:$0x930]  }
0x248: {  	[tilespmem:$0x1710] =	vst v0  }
0x249: {  	v0 =	vld.idx.msk [tilespmem:v40+s3+$0x0], $0xffff;
	_ =	sdelay $0x3  }
0x24a: {  	v42 =	vld [tilespmem:$0x940]  }
0x24b: {  	[tilespmem:$0x1720] =	vst v0  }
0x24c: {  	v0 =	vld.idx.msk [tilespmem:v41+s3+$0x0], $0xffff;
	_ =	sdelay $0x3  }
0x24d: {  	v43 =	vld [tilespmem:$0x950]  }
0x24e: {  	[tilespmem:$0x1730] =	vst v0  }
0x24f: {  	v0 =	vld.idx.msk [tilespmem:v42+s3+$0x0], $0xffff;
	_ =	sdelay $0x3  }
0x250: {  	v44 =	vld [tilespmem:$0x960]  }
0x251: {  	[tilespmem:$0x1740] =	vst v0  }
0x252: {  	v0 =	vld.idx.msk [tilespmem:v43+s3+$0x0], $0xffff;
	_ =	sdelay $0x3  }
0x253: {  	v45 =	vld [tilespmem:$0x970]  }
0x254: {  	[tilespmem:$0x1750] =	vst v0  }
0x255: {  	v0 =	vld.idx.msk [tilespmem:v44+s3+$0x0], $0xffff;
	_ =	sdelay $0x3  }
0x256: {  	v46 =	vld [tilespmem:$0x980]  }
0x257: {  	[tilespmem:$0x1760] =	vst v0  }
0x258: {  	v0 =	vld.idx.msk [tilespmem:v45+s3+$0x0], $0xffff;
	_ =	sdelay $0x3  }
0x259: {  	v47 =	vld [tilespmem:$0x990]  }
0x25a: {  	[tilespmem:$0x1770] =	vst v0  }
0x25b: {  	v0 =	vld.idx.msk [tilespmem:v46+s3+$0x0], $0xffff;
	_ =	sdelay $0x3  }
0x25c: {  	v48 =	vld [tilespmem:$0x9A0]  }
0x25d: {  	[tilespmem:$0x1780] =	vst v0  }
0x25e: {  	v0 =	vld.idx.msk [tilespmem:v47+s3+$0x0], $0xffff;
	_ =	sdelay $0x3  }
0x25f: {  	v49 =	vld [tilespmem:$0x9B0]  }
0x260: {  	[tilespmem:$0x1790] =	vst v0  }
0x261: {  	v0 =	vld.idx.msk [tilespmem:v48+s3+$0x0], $0xffff;
	_ =	sdelay $0x3  }
0x262: {  	v50 =	vld [tilespmem:$0x9C0]  }
0x263: {  	[tilespmem:$0x17A0] =	vst v0  }
0x264: {  	v0 =	vld.idx.msk [tilespmem:v49+s3+$0x0], $0xffff;
	_ =	sdelay $0x3  }
0x265: {  	v51 =	vld [tilespmem:$0x9D0]  }
0x266: {  	[tilespmem:$0x17B0] =	vst v0  }
0x267: {  	v0 =	vld.idx.msk [tilespmem:v50+s3+$0x0], $0xffff;
	_ =	sdelay $0x3  }
0x268: {  	v52 =	vld [tilespmem:$0x9E0]  }
0x269: {  	[tilespmem:$0x17C0] =	vst v0  }
0x26a: {  	v0 =	vld.idx.msk [tilespmem:v51+s3+$0x0], $0xffff;
	_ =	sdelay $0x3  }
0x26b: {  	v53 =	vld [tilespmem:$0x9F0]  }
0x26c: {  	[tilespmem:$0x17D0] =	vst v0  }
0x26d: {  	v0 =	vld.idx.msk [tilespmem:v52+s3+$0x0], $0xffff;
	_ =	sdelay $0x3  }
0x26e: {  	v54 =	vld [tilespmem:$0xA00]  }
0x26f: {  	[tilespmem:$0x17E0] =	vst v0  }
0x270: {  	v0 =	vld.idx.msk [tilespmem:v53+s3+$0x0], $0xffff;
	_ =	sdelay $0x3  }
0x271: {  	v55 =	vld [tilespmem:$0xA10]  }
0x272: {  	[tilespmem:$0x17F0] =	vst v0  }
0x273: {  	v0 =	vld.idx.msk [tilespmem:v54+s3+$0x0], $0xffff;
	_ =	sdelay $0x3  }
0x274: {  	v56 =	vld [tilespmem:$0xA20]  }
0x275: {  	[tilespmem:$0x1800] =	vst v0  }
0x276: {  	v0 =	vld.idx.msk [tilespmem:v55+s3+$0x0], $0xffff;
	_ =	sdelay $0x3  }
0x277: {  	v57 =	vld [tilespmem:$0xA30]  }
0x278: {  	[tilespmem:$0x1810] =	vst v0  }
0x279: {  	v0 =	vld.idx.msk [tilespmem:v56+s3+$0x0], $0xffff;
	_ =	sdelay $0x3  }
0x27a: {  	v58 =	vld [tilespmem:$0xA40]  }
0x27b: {  	[tilespmem:$0x1820] =	vst v0  }
0x27c: {  	v0 =	vld.idx.msk [tilespmem:v57+s3+$0x0], $0xffff;
	_ =	sdelay $0x3  }
0x27d: {  	v59 =	vld [tilespmem:$0xA50]  }
0x27e: {  	[tilespmem:$0x1830] =	vst v0  }
0x27f: {  	v0 =	vld.idx.msk [tilespmem:v58+s3+$0x0], $0xffff;
	_ =	sdelay $0x3  }
0x280: {  	v60 =	vld [tilespmem:$0xA60]  }
0x281: {  	[tilespmem:$0x1840] =	vst v0  }
0x282: {  	v0 =	vld.idx.msk [tilespmem:v59+s3+$0x0], $0xffff;
	_ =	sdelay $0x3  }
0x283: {  	v61 =	vld [tilespmem:$0xA70]  }
0x284: {  	[tilespmem:$0x1850] =	vst v0  }
0x285: {  	v0 =	vld.idx.msk [tilespmem:v60+s3+$0x0], $0xffff;
	_ =	sdelay $0x3  }
0x286: {  	v62 =	vld [tilespmem:$0xA80]  }
0x287: {  	[tilespmem:$0x1860] =	vst v0  }
0x288: {  	v0 =	vld.idx.msk [tilespmem:v61+s3+$0x0], $0xffff;
	_ =	sdelay $0x3  }
0x289: {  	v63 =	vld [tilespmem:$0xA90]  }
0x28a: {  	[tilespmem:$0x1870] =	vst v0  }
0x28b: {  	v0 =	vld.idx.msk [tilespmem:v62+s3+$0x0], $0xffff;
	_ =	sdelay $0x4  }
0x28c: {  	[tilespmem:$0x1880] =	vst v0  }
0x28d: {  	v0 =	vld.idx.msk [tilespmem:v63+s3+$0x0], $0xffff;
	_ =	sdelay $0x1  }
.Ltmp2:
0x28e: {  	_ = 	snop;
	(pc) =	sbr.rel @!p0 .LBB2_3-.Ltmp2, $3  }
0x28f: {  	_ =	sdelay $0x1  }
0x290: {  	[tilespmem:$0x1890] =	vst v0  }
0x291: {  	[hbm4b:s10+s3] =	stream.linear.scatter [tilespmem:s22], [sflag:$0x7], $0x320, $0x38;
	[tilespmem:$0x1C80] =	vst v63  }
.Ltmp3:
0x292: {  	(pc) =	sbr.rel .LBB2_4-.Ltmp3, $2  }
0x293: {  	_ =	sdelay $0x2  }
0x294: {  	s26 =	simm.s32 $0x7;
	s28 =	simm.s32 $0x6;
	s29 =	simm.s32 $0x5  }
.LBB2_5:
0x295: {  	_ =	sfence.sel $0x180000  }
0x296: {  	[bflag:$0x0] =	sbarrier.arrive $0xFFFF  }
0x297: {  	p0 =	sne.s32 s1, $0x0;
	_ =	strace $0x90000047  }
0x298: {  	s0 =	sadd.s32 @!p0 $0x100000, s0;
	[bflag:$0x2] =	sbarrier.arrive $0xFFFF  }
0x299: {  	[sflag:s0] =	ssyncadd.tile.s32 @!p0 $0x1;
	_ =	shalt  }
.Lfunc_end2:
_tile_overlayer_lowered:
.L_overlay_start_2:
0x29a: {  	(tag) =	ssettag $0x2  }
0x29b: {  	s0 =	rddreg [dreg:$0x0];
	s2 =	stileid.u32  }
0x29c: {  	s1 =	rddreg [dreg:$0x1];
	p0 =	sne.s32 s2, $0x0  }
0x29d: {  	s3 =	rddreg [dreg:$0x2];
	[bflag:$0x3] =	sbarrier.arrive $0xFFFF;
	s2 =	simm.s32 @!p0 $0x1C09  }
0x29e: {  	[timem:s3], [sflag:s2] =	dma.local @!p0 [hbm:s0], s1  }
0x29f: {  	s0 =	simm.s32 @!p0 $0x9  }
0x2a0: {  	_ =	swait.ge @!p0 [sflag:s0], s1  }
0x2a1: {  	s1 =	ssub.s32 @!p0 $0x0, s1;
	[sflag:s0] =	ssyncset.done @!p0 $0x0  }
0x2a2: {  	[sflag:s0] =	ssyncadd.s32 @!p0 s1  }
0x2a3: {  	[bflag:$0x3] =	sbarrier.arrive $0xFFFF  }
0x2a4: {  	_ =	shalt  }

</sc_bundles>
